<compile_context>
chip_gen: v7x
topology: tpu7x:2x2x1
jax: 0.10.2.dev20260603
libtpu: 0.0.44.dev20260713+nightly
codegen_flags: <defaults>
</compile_context>

<pallas_src>
import functools

import jax
import jax.numpy as jnp
from jax import lax
from jax.experimental import pallas as pl
from jax.experimental.pallas import tpu as pltpu
from jax.experimental.pallas import tpu_sc as plsc

B, N = 2, 262144
H, W = 384, 384
KS = 5
PAD = KS // 2
TOTAL = B * H * W

HW = H * W
NTILES = 16
PPT = HW // NTILES
CP = 16384
NB = N // CP
IMAX = jnp.iinfo(jnp.int32).max


def _ce(a, b):
    return jnp.minimum(a, b), jnp.maximum(a, b)


def _median25(w):
    work = list(w[:14])
    nxt = 14
    while len(work) > 3:
        s = len(work)
        for i in range(s - 1):
            work[i], work[i + 1] = _ce(work[i], work[i + 1])
        for i in range(s - 2, 0, -1):
            work[i - 1], work[i] = _ce(work[i - 1], work[i])
        work = work[1:-1]
        work.append(w[nxt])
        nxt += 1
    a, b, c = work
    return jnp.maximum(jnp.minimum(a, b), jnp.minimum(jnp.maximum(a, b), c))


def _reflect_pad2(x):
    x = jnp.concatenate(
        [x[2:3, :], x[1:2, :], x, x[H - 2:H - 1, :], x[H - 3:H - 2, :]], axis=0)
    x = jnp.concatenate(
        [x[:, 2:3], x[:, 1:2], x, x[:, W - 2:W - 1], x[:, W - 3:W - 2]], axis=1)
    return x


def _inpaint_kernel(img_ref, out_ref):
    hole = img_ref[0, 0] <= 0.0

    def one_round(_, chans):
        outs = []
        for c in chans:
            p = _reflect_pad2(c)
            wins = [p[i:i + H, j:j + W] for i in range(KS) for j in range(KS)]
            med = _median25(wins)
            outs.append(jnp.where(hole, med, c))
        return tuple(outs)

    chans = tuple(img_ref[0, c] for c in range(3))
    chans = lax.fori_loop(0, 10, one_round, chans, unroll=False)

    s = ((chans[0] > 0.0) | (chans[1] > 0.0) | (chans[2] > 0.0)).astype(jnp.float32)
    sp = jnp.pad(s, ((1, 1), (1, 1)))
    neigh = sum(sp[i:i + H, j:j + W] for i in range(3) for j in range(3))
    keep = (neigh >= 6.0).astype(jnp.float32)
    for c in range(3):
        out_ref[0, c] = chans[c] * keep


def _inpaint(image):
    return pl.pallas_call(
        _inpaint_kernel,
        grid=(B,),
        in_specs=[pl.BlockSpec((1, 3, H, W), lambda b: (b, 0, 0, 0))],
        out_specs=pl.BlockSpec((1, 3, H, W), lambda b: (b, 0, 0, 0)),
        out_shape=jax.ShapeDtypeStruct((B, 3, H, W), jnp.float32),
    )(image)


def _bf(x):
    return x.astype(jnp.bfloat16).astype(jnp.float32)


def _proj_kernel(K_ref, T_ref, cloud_ref, lin_ref, dep_ref):
    b = pl.program_id(0)
    c0, c1, c2, c3 = (_bf(cloud_ref[0, i]) for i in range(4))
    cc = [(_bf(T_ref[0, i, 0]) * c0 + _bf(T_ref[0, i, 1]) * c1)
          + (_bf(T_ref[0, i, 2]) * c2 + _bf(T_ref[0, i, 3]) * c3)
          for i in range(3)]
    ccb = [_bf(x) for x in cc]
    pr = [(_bf(K_ref[0, i, 0]) * ccb[0] + _bf(K_ref[0, i, 1]) * ccb[1])
          + _bf(K_ref[0, i, 2]) * ccb[2] for i in range(3)]
    u = jnp.clip(pr[0] / pr[2], 0.0, W - 1).astype(jnp.int32)
    v = jnp.clip(pr[1] / pr[2], 0.0, H - 1).astype(jnp.int32)
    lin_ref[0] = b * HW + v * W + u
    dep_ref[0] = cc[2].astype(jnp.int32)


def _project(cloud, K, T):
    c4 = cloud.reshape(B, 4, 512, 512)
    lin, dep = pl.pallas_call(
        _proj_kernel,
        grid=(B,),
        in_specs=[
            pl.BlockSpec((1, 3, 3), lambda b: (b, 0, 0), memory_space=pltpu.SMEM),
            pl.BlockSpec((1, 4, 4), lambda b: (b, 0, 0), memory_space=pltpu.SMEM),
            pl.BlockSpec((1, 4, 512, 512), lambda b: (b, 0, 0, 0)),
        ],
        out_specs=[pl.BlockSpec((1, 512, 512), lambda b: (b, 0, 0))] * 2,
        out_shape=[jax.ShapeDtypeStruct((B, 512, 512), jnp.int32)] * 2,
    )(K, T, c4)
    return lin.reshape(-1), dep.reshape(-1)


def _any16(m):
    return plsc.all_reduce_population_count(m)[0] > 0


def _zbuf_body(lin_hbm, dep_hbm, r0_hbm, r1_hbm, r2_hbm,
               img0_hbm, img1_hbm, img2_hbm,
               idxv, dv, minbuf, idbuf, idsafe, g0, g1, g2, sem):
    cid = lax.axis_index("c")
    sid = lax.axis_index("s")
    lo = cid * HW + sid * PPT
    hi = lo + PPT
    pt_base = cid * N

    def init_bufs(k, _):
        minbuf[pl.ds(k * 16, 16)] = jnp.full((16,), IMAX, jnp.int32)
        idbuf[pl.ds(k * 16, 16)] = jnp.full((16,), -1, jnp.int32)
        return 0
    lax.fori_loop(0, PPT // 16, init_bufs, 0)

    GS = 4

    def blk_body(blk, _):
        off = pt_base + blk * CP
        pltpu.sync_copy(lin_hbm.at[pl.ds(off, CP)], idxv)
        pltpu.sync_copy(dep_hbm.at[pl.ds(off, CP)], dv)

        def chunk(i, _):
            base = i * (16 * GS)
            idxs = [idxv[pl.ds(base + k * 16, 16)] for k in range(GS)]
            inms = [(ix >= lo) & (ix < hi) for ix in idxs]
            offs = [jnp.clip(ix - lo, 0, PPT - 1) for ix in idxs]
            ds_ = [dv[pl.ds(base + k * 16, 16)] for k in range(GS)]
            gids = [pt_base + blk * CP + base + k * 16
                    + jnp.arange(16, dtype=jnp.int32) for k in range(GS)]
            betters = []
            for k in range(GS):
                c_d = plsc.load_gather(minbuf, [offs[k]], mask=inms[k])
                c_i = plsc.load_gather(idbuf, [offs[k]], mask=inms[k])
                betters.append(inms[k] & ((ds_[k] < c_d)
                                          | ((ds_[k] == c_d) & (gids[k] > c_i))))

            def cond(nds):
                m = nds[0]
                for k in range(1, GS):
                    m = m | nds[k]
                return _any16(m)

            def body(nds):
                out = []
                for k in range(GS):
                    nd = nds[k]
                    plsc.store_scatter(minbuf, [offs[k]], ds_[k], mask=nd)
                    c_d = plsc.load_gather(minbuf, [offs[k]], mask=nd)
                    idw = nd & (ds_[k] == c_d)
                    plsc.store_scatter(idbuf, [offs[k]], gids[k], mask=idw)
                    c_i = plsc.load_gather(idbuf, [offs[k]], mask=nd)
                    out.append(nd & ((ds_[k] < c_d)
                                     | ((ds_[k] == c_d) & (gids[k] > c_i))))
                return tuple(out)
            lax.while_loop(cond, body, tuple(betters))
            return 0
        lax.fori_loop(0, CP // (16 * GS), chunk, 0)
        return 0
    lax.fori_loop(0, NB, blk_body, 0)

    def mk_safe(k, _):
        ids = idbuf[pl.ds(k * 16, 16)]
        spread = pt_base + k * 16 + jnp.arange(16, dtype=jnp.int32)
        idsafe[pl.ds(k * 16, 16)] = jnp.where(ids >= 0, ids, spread)
        return 0
    lax.fori_loop(0, PPT // 16, mk_safe, 0)

    def gblk(gi, _):
        base = gi * 128
        h0 = pltpu.async_copy(r0_hbm.at[idsafe.at[pl.ds(base, 128)]],
                              g0.at[pl.ds(base, 128)], sem)
        h1 = pltpu.async_copy(r1_hbm.at[idsafe.at[pl.ds(base, 128)]],
                              g1.at[pl.ds(base, 128)], sem)
        h2 = pltpu.async_copy(r2_hbm.at[idsafe.at[pl.ds(base, 128)]],
                              g2.at[pl.ds(base, 128)], sem)
        h0.wait()
        h1.wait()
        h2.wait()
        return 0
    lax.fori_loop(0, PPT // 128, gblk, 0)

    def fin(k, _):
        sl = pl.ds(k * 16, 16)
        valid = idbuf[sl] >= 0
        g0[sl] = jnp.where(valid, g0[sl], -0.001)
        g1[sl] = jnp.where(valid, g1[sl], -0.001)
        g2[sl] = jnp.where(valid, g2[sl], -0.001)
        return 0
    lax.fori_loop(0, PPT // 16, fin, 0)

    pltpu.sync_copy(g0, img0_hbm.at[pl.ds(lo, PPT)])
    pltpu.sync_copy(g1, img1_hbm.at[pl.ds(lo, PPT)])
    pltpu.sync_copy(g2, img2_hbm.at[pl.ds(lo, PPT)])


def _zbuffer(lin, dep, r0, r1, r2):
    run = pl.kernel(
        _zbuf_body,
        out_type=[jax.ShapeDtypeStruct((TOTAL,), jnp.float32)] * 3,
        mesh=plsc.VectorSubcoreMesh(core_axis_name="c", subcore_axis_name="s"),
        compiler_params=pltpu.CompilerParams(needs_layout_passes=False),
        scratch_types=[
            pltpu.VMEM((CP,), jnp.int32),
            pltpu.VMEM((CP,), jnp.int32),
            pltpu.VMEM((PPT,), jnp.int32),
            pltpu.VMEM((PPT,), jnp.int32),
            pltpu.VMEM((PPT,), jnp.int32),
            pltpu.VMEM((PPT,), jnp.float32),
            pltpu.VMEM((PPT,), jnp.float32),
            pltpu.VMEM((PPT,), jnp.float32),
            pltpu.SemaphoreType.DMA,
        ],
    )
    return run(lin, dep, r0, r1, r2)


def kernel(cloud, rgb_vec, K, T):
    lin, dep = _project(cloud, K, T)
    rgbp = jnp.transpose(rgb_vec, (1, 0, 2)).reshape(3, -1)
    img0, img1, img2 = _zbuffer(lin, dep, rgbp[0], rgbp[1], rgbp[2])
    image = jnp.stack([img0, img1, img2], 0).reshape(3, B, H, W)
    image = jnp.transpose(image, (1, 0, 2, 3))
    return _inpaint(image)

# --- scband reference (transcript-rebuilt; emitter-appended) ---
"""Pipeline reference for scband-project-28132035789005 (READ-ONLY COPY).

The authoritative reference and input builder live on the scoring server;
editing this copy changes nothing except your own understanding.
"""

import jax, jax.numpy as jnp
import numpy as np

B, N = 2, 262144
H, W = 384, 384
KS = 5
PAD = KS // 2


def setup_inputs(seed: int = 0) -> dict:
    key = jax.random.key(seed)
    k1, k2, k3, k4 = jax.random.split(key, 4)
    return {
        "cloud": jax.random.normal(k1, (B, 4, N), dtype=jnp.float32),
        "rgb_vec": jax.random.uniform(k2, (B, 3, N), dtype=jnp.float32),
        "K": jax.random.normal(k3, (B, 3, 3), dtype=jnp.float32),
        "T": jax.random.normal(k4, (B, 4, 4), dtype=jnp.float32),
    }


def _median_filter(img):
    padded = jnp.pad(img, ((0, 0), (0, 0), (PAD, PAD), (PAD, PAD)), mode="reflect")
    sl = []
    for i in range(KS):
        for j in range(KS):
            sl.append(padded[:, :, i:i + H, j:j + W])
    patches = jnp.stack(sl, axis=-1)
    return jnp.median(patches, axis=-1)


def _forward(cloud, rgb_vec, K, T):
    # T has shape [B,4,4] so the euler2mat branch is not taken
    cloud_cam = jnp.matmul(T, cloud)                      # [B,4,N]
    proj = jnp.matmul(K, cloud_cam[:, :3, :])             # [B,3,N]
    uv = proj[:, :2, :] / proj[:, 2:3, :]
    depth = cloud_cam[:, 2, :]
    # torch: .int() then clamp; clip-then-truncate is equivalent and avoids
    # undefined out-of-range float->int conversion
    v = jnp.clip(uv[:, 1, :], 0.0, H - 1).astype(jnp.int32)
    u = jnp.clip(uv[:, 0, :], 0.0, W - 1).astype(jnp.int32)
    batch_offset = (jnp.arange(B, dtype=jnp.int32) * (H * W))[:, None]
    linear_idx = (batch_offset + v * W + u).reshape(-1)
    flat_depth = depth.reshape(-1).astype(jnp.int32)      # torch used .long(); int32 (jax x64 off), values are tiny
    flat_rgb = jnp.transpose(rgb_vec, (0, 2, 1)).reshape(-1, 3)
    total = B * H * W
    # depth buffer init float('inf').long() -> integer max sentinel; scatter-min
    depth_buffer = jnp.full((total,), jnp.iinfo(jnp.int32).max, dtype=jnp.int32)
    depth_buffer = depth_buffer.at[linear_idx].min(flat_depth)
    gathered_depth = depth_buffer[linear_idx]
    mask = jnp.isclose(flat_depth, gathered_depth, atol=1e-6)
    rgb_filtered = jnp.where(mask[:, None], flat_rgb, 0.0)
    # index_copy only at masked positions: route unmasked writes out of bounds and drop
    idx_set = jnp.where(mask, linear_idx, total)
    image_flat = jnp.full((total, 3), -0.001, dtype=flat_rgb.dtype)
    image_flat = image_flat.at[idx_set].set(rgb_filtered, mode="drop")
    image = jnp.transpose(image_flat.reshape(B, H, W, 3), (0, 3, 1, 2))   # [B,3,H,W]
    # count scatter (classification_mask in torch is computed but never returned)
    count_buffer = jnp.zeros((total,), jnp.int32).at[linear_idx].add(1).reshape(B, H, W)
    _ = jnp.where(count_buffer > 1, 2, jnp.where(count_buffer == 1, 1, 0))
    missing_value = 0.0
    base_mask = (image[:, :1, :, :] > missing_value).astype(jnp.float32)
    mask_full = jnp.broadcast_to(base_mask, image.shape)
    inpainted = image
    for _i in range(10):
        med = _median_filter(inpainted)
        inpainted = jnp.where(mask_full == 0, med, inpainted)
    expanded = jnp.any(inpainted > 0, axis=1, keepdims=True)
    single = expanded[:, 0, :, :].astype(jnp.float32)
    kern = jnp.ones((1, 1, 3, 3), jnp.float32)
    neighbor = jax.lax.conv_general_dilated(single[:, None, :, :], kern, (1, 1), "SAME")
    holemask = jnp.repeat((neighbor >= 6).astype(jnp.int32), 3, axis=1)
    warped = inpainted * holemask
    return warped


def reference(cloud, rgb_vec, K, T):
    # default args: points_match_3d=None, return_artifacts=False, return_mask=False,
    # so the only tensor output is output['warped']
    return _forward(cloud, rgb_vec, K, T)

if __name__ == "__main__":
    import jax
    _d = setup_inputs()
    print(jax.jit(kernel)(*tuple(_d.values())))

</pallas_src>

<mosaic_0001>
#map = affine_map<(d0, d1) -> (0)>
module attributes {stable_mosaic.version = 14 : i64} {
  func.func @_zbuf_body(%arg0: i32, %arg1: i32, %arg2: memref<524288xi32, #tpu.memory_space<hbm>>, %arg3: memref<524288xi32, #tpu.memory_space<hbm>>, %arg4: memref<524288xf32, #tpu.memory_space<hbm>>, %arg5: memref<524288xf32, #tpu.memory_space<hbm>>, %arg6: memref<524288xf32, #tpu.memory_space<hbm>>, %arg7: memref<294912xf32, #tpu.memory_space<hbm>>, %arg8: memref<294912xf32, #tpu.memory_space<hbm>>, %arg9: memref<294912xf32, #tpu.memory_space<hbm>>, %arg10: memref<16384xi32, #tpu.memory_space<vmem>>, %arg11: memref<16384xi32, #tpu.memory_space<vmem>>, %arg12: memref<9216xi32, #tpu.memory_space<vmem>>, %arg13: memref<9216xi32, #tpu.memory_space<vmem>>, %arg14: memref<9216xi32, #tpu.memory_space<vmem>>, %arg15: memref<9216xf32, #tpu.memory_space<vmem>>, %arg16: memref<9216xf32, #tpu.memory_space<vmem>>, %arg17: memref<9216xf32, #tpu.memory_space<vmem>>, %arg18: memref<!tpu.dma_semaphore, #tpu.memory_space<semaphore_mem>>) attributes {dimension_semantics = [#tpu.dimension_semantics<core_parallel>, #tpu.dimension_semantics<subcore_parallel>], iteration_bounds = array<i64: 2, 16>, scalar_prefetch = 0 : i64, scratch_operands = 9 : i64, tpu.core_type = #tpu.core_type<sc_vector_subcore>, window_params = [{transform_indices = #map}, {transform_indices = #map}, {transform_indices = #map}, {transform_indices = #map}, {transform_indices = #map}, {transform_indices = #map}, {transform_indices = #map}, {transform_indices = #map}]} {
    %mul3A = arith.constant 147456 : i32
    %mul3A_0 = arith.muli %arg0, %mul3A : i32
    %mul3A_1 = arith.constant 9216 : i32
    %mul3A_2 = arith.muli %arg1, %mul3A_1 : i32
    %add3A = arith.addi %mul3A_0, %mul3A_2 : i32
    %add3A_3 = arith.constant 9216 : i32
    %add3A_4 = arith.addi %add3A, %add3A_3 : i32
    %mul3A_5 = arith.constant 262144 : i32
    %mul3A_6 = arith.muli %arg0, %mul3A_5 : i32
    %scan3A = arith.constant 0 : i32
    %scan3A_7 = arith.constant 0 : i32
    %scan3A_8 = arith.constant 576 : i32
    %scan3A_9 = arith.addi %scan3A_7, %scan3A_8 : i32
    %scan3A_10 = arith.constant 1 : i32
    %scan3A_11 = scf.for %scan3A_41 = %scan3A_7 to %scan3A_9 step %scan3A_10 iter_args(%scan3A_42 = %scan3A) -> (i32)  : i32 {
      %broadcast_in_dim3A = arith.constant 2147483647 : i32
      %broadcast_in_dim3A_43 = vector.broadcast %broadcast_in_dim3A : i32 to vector<16xi32>
      %mul3A_44 = arith.constant 16 : i32
      %mul3A_45 = arith.muli %scan3A_41, %mul3A_44 : i32
      %swap3A = arith.index_cast %mul3A_45 : i32 to index
      %swap3A_46 = tpu.vector_load %arg12[%swap3A] {strides = array<i32>} : memref<9216xi32, #tpu.memory_space<vmem>>, vector<16xi32>,
      tpu.vector_store %arg12[%swap3A], %broadcast_in_dim3A_43 {strides = array<i32>} : memref<9216xi32, #tpu.memory_space<vmem>>, vector<16xi32>,
      %broadcast_in_dim3A_47 = arith.constant -1 : i32
      %broadcast_in_dim3A_48 = vector.broadcast %broadcast_in_dim3A_47 : i32 to vector<16xi32>
      %mul3A_49 = arith.constant 16 : i32
      %mul3A_50 = arith.muli %scan3A_41, %mul3A_49 : i32
      %swap3A_51 = arith.index_cast %mul3A_50 : i32 to index
      %swap3A_52 = tpu.vector_load %arg13[%swap3A_51] {strides = array<i32>} : memref<9216xi32, #tpu.memory_space<vmem>>, vector<16xi32>,
      tpu.vector_store %arg13[%swap3A_51], %broadcast_in_dim3A_48 {strides = array<i32>} : memref<9216xi32, #tpu.memory_space<vmem>>, vector<16xi32>,
      %scan3A_53 = arith.constant 0 : i32
      scf.yield %scan3A_53 : i32
    }
    %scan3A_12 = arith.constant 576 : i32
    %scan3A_13 = arith.constant 0 : i32
    %scan3A_14 = arith.constant 0 : i32
    %scan3A_15 = arith.constant 16 : i32
    %scan3A_16 = arith.addi %scan3A_14, %scan3A_15 : i32
    %scan3A_17 = arith.constant 1 : i32
    %scan3A_18 = scf.for %scan3A_41 = %scan3A_14 to %scan3A_16 step %scan3A_17 iter_args(%scan3A_42 = %scan3A_13) -> (i32)  : i32 {
      %mul3A_43 = arith.constant 16384 : i32
      %mul3A_44 = arith.muli %scan3A_41, %mul3A_43 : i32
      %add3A_45 = arith.addi %mul3A_6, %mul3A_44 : i32
      "tpu.region"() ({
        %run_scoped3A = tpu.sem_alloc : memref<!tpu.dma_semaphore, #tpu.memory_space<semaphore_mem>>
        %dma_start3A = tpu.memref_slice %arg2[%add3A_45] : memref<524288xi32, #tpu.memory_space<hbm>> -> memref<16384xi32, #tpu.memory_space<hbm>>
        %dma_start3A_54 = tpu.memref_slice %arg2[%add3A_45] : memref<524288xi32, #tpu.memory_space<hbm>> -> memref<16384xi32, #tpu.memory_space<hbm>>
        tpu.enqueue_dma source(%dma_start3A_54 : memref<16384xi32, #tpu.memory_space<hbm>>) target(%arg10 : memref<16384xi32, #tpu.memory_space<vmem>>) target_semaphore(%run_scoped3A : memref<!tpu.dma_semaphore, #tpu.memory_space<semaphore_mem>>)
        %dma_wait3A = tpu.memref_slice %arg2[%add3A_45] : memref<524288xi32, #tpu.memory_space<hbm>> -> memref<16384xi32, #tpu.memory_space<hbm>>
        %dma_wait3A_55 = tpu.memref_slice %arg2[%add3A_45] : memref<524288xi32, #tpu.memory_space<hbm>> -> memref<16384xi32, #tpu.memory_space<hbm>>
        tpu.wait_dma2 semaphore(%run_scoped3A : memref<!tpu.dma_semaphore, #tpu.memory_space<semaphore_mem>>) src(%dma_wait3A_55 : memref<16384xi32, #tpu.memory_space<hbm>>) dst(%arg10 : memref<16384xi32, #tpu.memory_space<vmem>>)
        tpu.yield
      }) : () -> ()
      "tpu.region"() ({
        %run_scoped3A = tpu.sem_alloc : memref<!tpu.dma_semaphore, #tpu.memory_space<semaphore_mem>>
        %dma_start3A = tpu.memref_slice %arg3[%add3A_45] : memref<524288xi32, #tpu.memory_space<hbm>> -> memref<16384xi32, #tpu.memory_space<hbm>>
        %dma_start3A_54 = tpu.memref_slice %arg3[%add3A_45] : memref<524288xi32, #tpu.memory_space<hbm>> -> memref<16384xi32, #tpu.memory_space<hbm>>
        tpu.enqueue_dma source(%dma_start3A_54 : memref<16384xi32, #tpu.memory_space<hbm>>) target(%arg11 : memref<16384xi32, #tpu.memory_space<vmem>>) target_semaphore(%run_scoped3A : memref<!tpu.dma_semaphore, #tpu.memory_space<semaphore_mem>>)
        %dma_wait3A = tpu.memref_slice %arg3[%add3A_45] : memref<524288xi32, #tpu.memory_space<hbm>> -> memref<16384xi32, #tpu.memory_space<hbm>>
        %dma_wait3A_55 = tpu.memref_slice %arg3[%add3A_45] : memref<524288xi32, #tpu.memory_space<hbm>> -> memref<16384xi32, #tpu.memory_space<hbm>>
        tpu.wait_dma2 semaphore(%run_scoped3A : memref<!tpu.dma_semaphore, #tpu.memory_space<semaphore_mem>>) src(%dma_wait3A_55 : memref<16384xi32, #tpu.memory_space<hbm>>) dst(%arg11 : memref<16384xi32, #tpu.memory_space<vmem>>)
        tpu.yield
      }) : () -> ()
      %scan3A_46 = arith.constant 0 : i32
      %scan3A_47 = arith.constant 0 : i32
      %scan3A_48 = arith.constant 256 : i32
      %scan3A_49 = arith.addi %scan3A_47, %scan3A_48 : i32
      %scan3A_50 = arith.constant 1 : i32
      %scan3A_51 = scf.for %scan3A_54 = %scan3A_47 to %scan3A_49 step %scan3A_50 iter_args(%scan3A_55 = %scan3A_46) -> (i32)  : i32 {
        %mul3A_56 = arith.constant 64 : i32
        %mul3A_57 = arith.muli %scan3A_54, %mul3A_56 : i32
        %add3A_58 = arith.constant 0 : i32
        %add3A_59 = arith.addi %mul3A_57, %add3A_58 : i32
        %get3A = arith.index_cast %add3A_59 : i32 to index
        %get3A_60 = tpu.vector_load %arg10[%get3A] {strides = array<i32>} : memref<16384xi32, #tpu.memory_space<vmem>>, vector<16xi32>,
        %add3A_61 = arith.constant 16 : i32
        %add3A_62 = arith.addi %mul3A_57, %add3A_61 : i32
        %get3A_63 = arith.index_cast %add3A_62 : i32 to index
        %get3A_64 = tpu.vector_load %arg10[%get3A_63] {strides = array<i32>} : memref<16384xi32, #tpu.memory_space<vmem>>, vector<16xi32>,
        %add3A_65 = arith.constant 32 : i32
        %add3A_66 = arith.addi %mul3A_57, %add3A_65 : i32
        %get3A_67 = arith.index_cast %add3A_66 : i32 to index
        %get3A_68 = tpu.vector_load %arg10[%get3A_67] {strides = array<i32>} : memref<16384xi32, #tpu.memory_space<vmem>>, vector<16xi32>,
        %add3A_69 = arith.constant 48 : i32
        %add3A_70 = arith.addi %mul3A_57, %add3A_69 : i32
        %get3A_71 = arith.index_cast %add3A_70 : i32 to index
        %get3A_72 = tpu.vector_load %arg10[%get3A_71] {strides = array<i32>} : memref<16384xi32, #tpu.memory_space<vmem>>, vector<16xi32>,
        %ge3A = vector.broadcast %add3A : i32 to vector<16xi32>
        %ge3A_73 = arith.cmpi sge, %get3A_60, %ge3A : vector<16xi32>
        %lt3A = vector.broadcast %add3A_4 : i32 to vector<16xi32>
        %lt3A_74 = arith.cmpi slt, %get3A_60, %lt3A : vector<16xi32>
        %and3A = arith.andi %ge3A_73, %lt3A_74 : vector<16xi1>
        %ge3A_75 = vector.broadcast %add3A : i32 to vector<16xi32>
        %ge3A_76 = arith.cmpi sge, %get3A_64, %ge3A_75 : vector<16xi32>
        %lt3A_77 = vector.broadcast %add3A_4 : i32 to vector<16xi32>
        %lt3A_78 = arith.cmpi slt, %get3A_64, %lt3A_77 : vector<16xi32>
        %and3A_79 = arith.andi %ge3A_76, %lt3A_78 : vector<16xi1>
        %ge3A_80 = vector.broadcast %add3A : i32 to vector<16xi32>
        %ge3A_81 = arith.cmpi sge, %get3A_68, %ge3A_80 : vector<16xi32>
        %lt3A_82 = vector.broadcast %add3A_4 : i32 to vector<16xi32>
        %lt3A_83 = arith.cmpi slt, %get3A_68, %lt3A_82 : vector<16xi32>
        %and3A_84 = arith.andi %ge3A_81, %lt3A_83 : vector<16xi1>
        %ge3A_85 = vector.broadcast %add3A : i32 to vector<16xi32>
        %ge3A_86 = arith.cmpi sge, %get3A_72, %ge3A_85 : vector<16xi32>
        %lt3A_87 = vector.broadcast %add3A_4 : i32 to vector<16xi32>
        %lt3A_88 = arith.cmpi slt, %get3A_72, %lt3A_87 : vector<16xi32>
        %and3A_89 = arith.andi %ge3A_86, %lt3A_88 : vector<16xi1>
        %sub3A = vector.broadcast %add3A : i32 to vector<16xi32>
        %sub3A_90 = arith.subi %get3A_60, %sub3A : vector<16xi32>
        %jit3A = arith.constant 0 : i32
        %jit3A_91 = arith.constant 9215 : i32
        %max3A = vector.broadcast %jit3A : i32 to vector<16xi32>
        %max3A_92 = arith.maxsi %max3A, %sub3A_90 : vector<16xi32>
        %min3A = vector.broadcast %jit3A_91 : i32 to vector<16xi32>
        %min3A_93 = arith.minsi %min3A, %max3A_92 : vector<16xi32>
        %sub3A_94 = vector.broadcast %add3A : i32 to vector<16xi32>
        %sub3A_95 = arith.subi %get3A_64, %sub3A_94 : vector<16xi32>
        %jit3A_96 = arith.constant 0 : i32
        %jit3A_97 = arith.constant 9215 : i32
        %max3A_98 = vector.broadcast %jit3A_96 : i32 to vector<16xi32>
        %max3A_99 = arith.maxsi %max3A_98, %sub3A_95 : vector<16xi32>
        %min3A_100 = vector.broadcast %jit3A_97 : i32 to vector<16xi32>
        %min3A_101 = arith.minsi %min3A_100, %max3A_99 : vector<16xi32>
        %sub3A_102 = vector.broadcast %add3A : i32 to vector<16xi32>
        %sub3A_103 = arith.subi %get3A_68, %sub3A_102 : vector<16xi32>
        %jit3A_104 = arith.constant 0 : i32
        %jit3A_105 = arith.constant 9215 : i32
        %max3A_106 = vector.broadcast %jit3A_104 : i32 to vector<16xi32>
        %max3A_107 = arith.maxsi %max3A_106, %sub3A_103 : vector<16xi32>
        %min3A_108 = vector.broadcast %jit3A_105 : i32 to vector<16xi32>
        %min3A_109 = arith.minsi %min3A_108, %max3A_107 : vector<16xi32>
        %sub3A_110 = vector.broadcast %add3A : i32 to vector<16xi32>
        %sub3A_111 = arith.subi %get3A_72, %sub3A_110 : vector<16xi32>
        %jit3A_112 = arith.constant 0 : i32
        %jit3A_113 = arith.constant 9215 : i32
        %max3A_114 = vector.broadcast %jit3A_112 : i32 to vector<16xi32>
        %max3A_115 = arith.maxsi %max3A_114, %sub3A_111 : vector<16xi32>
        %min3A_116 = vector.broadcast %jit3A_113 : i32 to vector<16xi32>
        %min3A_117 = arith.minsi %min3A_116, %max3A_115 : vector<16xi32>
        %add3A_118 = arith.constant 0 : i32
        %add3A_119 = arith.addi %mul3A_57, %add3A_118 : i32
        %get3A_120 = arith.index_cast %add3A_119 : i32 to index
        %get3A_121 = tpu.vector_load %arg11[%get3A_120] {strides = array<i32>} : memref<16384xi32, #tpu.memory_space<vmem>>, vector<16xi32>,
        %add3A_122 = arith.constant 16 : i32
        %add3A_123 = arith.addi %mul3A_57, %add3A_122 : i32
        %get3A_124 = arith.index_cast %add3A_123 : i32 to index
        %get3A_125 = tpu.vector_load %arg11[%get3A_124] {strides = array<i32>} : memref<16384xi32, #tpu.memory_space<vmem>>, vector<16xi32>,
        %add3A_126 = arith.constant 32 : i32
        %add3A_127 = arith.addi %mul3A_57, %add3A_126 : i32
        %get3A_128 = arith.index_cast %add3A_127 : i32 to index
        %get3A_129 = tpu.vector_load %arg11[%get3A_128] {strides = array<i32>} : memref<16384xi32, #tpu.memory_space<vmem>>, vector<16xi32>,
        %add3A_130 = arith.constant 48 : i32
        %add3A_131 = arith.addi %mul3A_57, %add3A_130 : i32
        %get3A_132 = arith.index_cast %add3A_131 : i32 to index
        %get3A_133 = tpu.vector_load %arg11[%get3A_132] {strides = array<i32>} : memref<16384xi32, #tpu.memory_space<vmem>>, vector<16xi32>,
        %mul3A_134 = arith.constant 16384 : i32
        %mul3A_135 = arith.muli %scan3A_41, %mul3A_134 : i32
        %add3A_136 = arith.addi %mul3A_6, %mul3A_135 : i32
        %add3A_137 = arith.addi %add3A_136, %mul3A_57 : i32
        %add3A_138 = arith.constant 0 : i32
        %add3A_139 = arith.addi %add3A_137, %add3A_138 : i32
        %iota3A = tpu.iota {dimensions = array<i32: 0>} : vector<16xi32>
        %add3A_140 = vector.broadcast %add3A_139 : i32 to vector<16xi32>
        %add3A_141 = arith.addi %add3A_140, %iota3A : vector<16xi32>
        %mul3A_142 = arith.constant 16384 : i32
        %mul3A_143 = arith.muli %scan3A_41, %mul3A_142 : i32
        %add3A_144 = arith.addi %mul3A_6, %mul3A_143 : i32
        %add3A_145 = arith.addi %add3A_144, %mul3A_57 : i32
        %add3A_146 = arith.constant 16 : i32
        %add3A_147 = arith.addi %add3A_145, %add3A_146 : i32
        %iota3A_148 = tpu.iota {dimensions = array<i32: 0>} : vector<16xi32>
        %add3A_149 = vector.broadcast %add3A_147 : i32 to vector<16xi32>
        %add3A_150 = arith.addi %add3A_149, %iota3A_148 : vector<16xi32>
        %mul3A_151 = arith.constant 16384 : i32
        %mul3A_152 = arith.muli %scan3A_41, %mul3A_151 : i32
        %add3A_153 = arith.addi %mul3A_6, %mul3A_152 : i32
        %add3A_154 = arith.addi %add3A_153, %mul3A_57 : i32
        %add3A_155 = arith.constant 32 : i32
        %add3A_156 = arith.addi %add3A_154, %add3A_155 : i32
        %iota3A_157 = tpu.iota {dimensions = array<i32: 0>} : vector<16xi32>
        %add3A_158 = vector.broadcast %add3A_156 : i32 to vector<16xi32>
        %add3A_159 = arith.addi %add3A_158, %iota3A_157 : vector<16xi32>
        %mul3A_160 = arith.constant 16384 : i32
        %mul3A_161 = arith.muli %scan3A_41, %mul3A_160 : i32
        %add3A_162 = arith.addi %mul3A_6, %mul3A_161 : i32
        %add3A_163 = arith.addi %add3A_162, %mul3A_57 : i32
        %add3A_164 = arith.constant 48 : i32
        %add3A_165 = arith.addi %add3A_163, %add3A_164 : i32
        %iota3A_166 = tpu.iota {dimensions = array<i32: 0>} : vector<16xi32>
        %add3A_167 = vector.broadcast %add3A_165 : i32 to vector<16xi32>
        %add3A_168 = arith.addi %add3A_167, %iota3A_166 : vector<16xi32>
        %gather3A = tpu.vector_load_idx %arg12[%min3A_93] masked %and3A : memref<9216xi32, #tpu.memory_space<vmem>>[vector<16xi32>], vector<16xi32>, vector<16xi1>
        %gather3A_169 = tpu.vector_load_idx %arg13[%min3A_93] masked %and3A : memref<9216xi32, #tpu.memory_space<vmem>>[vector<16xi32>], vector<16xi32>, vector<16xi1>
        %lt3A_170 = arith.cmpi slt, %get3A_121, %gather3A : vector<16xi32>
        %eq3A = arith.cmpi eq, %get3A_121, %gather3A : vector<16xi32>
        %gt3A = arith.cmpi sgt, %add3A_141, %gather3A_169 : vector<16xi32>
        %and3A_171 = arith.andi %eq3A, %gt3A : vector<16xi1>
        %or3A = arith.ori %lt3A_170, %and3A_171 : vector<16xi1>
        %and3A_172 = arith.andi %and3A, %or3A : vector<16xi1>
        %gather3A_173 = tpu.vector_load_idx %arg12[%min3A_101] masked %and3A_79 : memref<9216xi32, #tpu.memory_space<vmem>>[vector<16xi32>], vector<16xi32>, vector<16xi1>
        %gather3A_174 = tpu.vector_load_idx %arg13[%min3A_101] masked %and3A_79 : memref<9216xi32, #tpu.memory_space<vmem>>[vector<16xi32>], vector<16xi32>, vector<16xi1>
        %lt3A_175 = arith.cmpi slt, %get3A_125, %gather3A_173 : vector<16xi32>
        %eq3A_176 = arith.cmpi eq, %get3A_125, %gather3A_173 : vector<16xi32>
        %gt3A_177 = arith.cmpi sgt, %add3A_150, %gather3A_174 : vector<16xi32>
        %and3A_178 = arith.andi %eq3A_176, %gt3A_177 : vector<16xi1>
        %or3A_179 = arith.ori %lt3A_175, %and3A_178 : vector<16xi1>
        %and3A_180 = arith.andi %and3A_79, %or3A_179 : vector<16xi1>
        %gather3A_181 = tpu.vector_load_idx %arg12[%min3A_109] masked %and3A_84 : memref<9216xi32, #tpu.memory_space<vmem>>[vector<16xi32>], vector<16xi32>, vector<16xi1>
        %gather3A_182 = tpu.vector_load_idx %arg13[%min3A_109] masked %and3A_84 : memref<9216xi32, #tpu.memory_space<vmem>>[vector<16xi32>], vector<16xi32>, vector<16xi1>
        %lt3A_183 = arith.cmpi slt, %get3A_129, %gather3A_181 : vector<16xi32>
        %eq3A_184 = arith.cmpi eq, %get3A_129, %gather3A_181 : vector<16xi32>
        %gt3A_185 = arith.cmpi sgt, %add3A_159, %gather3A_182 : vector<16xi32>
        %and3A_186 = arith.andi %eq3A_184, %gt3A_185 : vector<16xi1>
        %or3A_187 = arith.ori %lt3A_183, %and3A_186 : vector<16xi1>
        %and3A_188 = arith.andi %and3A_84, %or3A_187 : vector<16xi1>
        %gather3A_189 = tpu.vector_load_idx %arg12[%min3A_117] masked %and3A_89 : memref<9216xi32, #tpu.memory_space<vmem>>[vector<16xi32>], vector<16xi32>, vector<16xi1>
        %gather3A_190 = tpu.vector_load_idx %arg13[%min3A_117] masked %and3A_89 : memref<9216xi32, #tpu.memory_space<vmem>>[vector<16xi32>], vector<16xi32>, vector<16xi1>
        %lt3A_191 = arith.cmpi slt, %get3A_133, %gather3A_189 : vector<16xi32>
        %eq3A_192 = arith.cmpi eq, %get3A_133, %gather3A_189 : vector<16xi32>
        %gt3A_193 = arith.cmpi sgt, %add3A_168, %gather3A_190 : vector<16xi32>
        %and3A_194 = arith.andi %eq3A_192, %gt3A_193 : vector<16xi1>
        %or3A_195 = arith.ori %lt3A_191, %and3A_194 : vector<16xi1>
        %and3A_196 = arith.andi %and3A_89, %or3A_195 : vector<16xi1>
        %while3A:4 = scf.while (%while3A_198 = %and3A_172, %while3A_199 = %and3A_180, %while3A_200 = %and3A_188, %while3A_201 = %and3A_196) : (vector<16xi1>, vector<16xi1>, vector<16xi1>, vector<16xi1>) -> (vector<16xi1>, vector<16xi1>, vector<16xi1>, vector<16xi1>) {
          %or3A_202 = arith.ori %while3A_198, %while3A_199 : vector<16xi1>
          %or3A_203 = arith.ori %or3A_202, %while3A_200 : vector<16xi1>
          %or3A_204 = arith.ori %or3A_203, %while3A_201 : vector<16xi1>
          %all_reduce_population_count3A = tpu.all_reduce %or3A_204 {dim = 0 : i64, kind = #tpu.reduction_kind<sum>} : vector<16xi1> -> vector<16xi32>
          %slice3A = vector.extract_strided_slice %all_reduce_population_count3A {offsets = [0], sizes = [1], strides = [1]} : vector<16xi32> to vector<1xi32>
          %squeeze3A = vector.extract %slice3A[0] : i32 from vector<1xi32>
          %gt3A_205 = arith.constant 0 : i32
          %gt3A_206 = arith.cmpi sgt, %squeeze3A, %gt3A_205 : i32
          scf.condition(%gt3A_206) %while3A_198, %while3A_199, %while3A_200, %while3A_201 : vector<16xi1>, vector<16xi1>, vector<16xi1>, vector<16xi1>
        } do {
        ^bb0(%while3A_198: vector<16xi1>, %while3A_199: vector<16xi1>, %while3A_200: vector<16xi1>, %while3A_201: vector<16xi1>):
          tpu.vector_store_idx %arg12[%min3A_93], %get3A_121 masked %while3A_198 : memref<9216xi32, #tpu.memory_space<vmem>>[vector<16xi32>], vector<16xi32>, vector<16xi1>
          %gather3A_202 = tpu.vector_load_idx %arg12[%min3A_93] masked %while3A_198 : memref<9216xi32, #tpu.memory_space<vmem>>[vector<16xi32>], vector<16xi32>, vector<16xi1>
          %eq3A_203 = arith.cmpi eq, %get3A_121, %gather3A_202 : vector<16xi32>
          %and3A_204 = arith.andi %while3A_198, %eq3A_203 : vector<16xi1>
          tpu.vector_store_idx %arg13[%min3A_93], %add3A_141 masked %and3A_204 : memref<9216xi32, #tpu.memory_space<vmem>>[vector<16xi32>], vector<16xi32>, vector<16xi1>
          %gather3A_205 = tpu.vector_load_idx %arg13[%min3A_93] masked %while3A_198 : memref<9216xi32, #tpu.memory_space<vmem>>[vector<16xi32>], vector<16xi32>, vector<16xi1>
          %lt3A_206 = arith.cmpi slt, %get3A_121, %gather3A_202 : vector<16xi32>
          %eq3A_207 = arith.cmpi eq, %get3A_121, %gather3A_202 : vector<16xi32>
          %gt3A_208 = arith.cmpi sgt, %add3A_141, %gather3A_205 : vector<16xi32>
          %and3A_209 = arith.andi %eq3A_207, %gt3A_208 : vector<16xi1>
          %or3A_210 = arith.ori %lt3A_206, %and3A_209 : vector<16xi1>
          %and3A_211 = arith.andi %while3A_198, %or3A_210 : vector<16xi1>
          tpu.vector_store_idx %arg12[%min3A_101], %get3A_125 masked %while3A_199 : memref<9216xi32, #tpu.memory_space<vmem>>[vector<16xi32>], vector<16xi32>, vector<16xi1>
          %gather3A_212 = tpu.vector_load_idx %arg12[%min3A_101] masked %while3A_199 : memref<9216xi32, #tpu.memory_space<vmem>>[vector<16xi32>], vector<16xi32>, vector<16xi1>
          %eq3A_213 = arith.cmpi eq, %get3A_125, %gather3A_212 : vector<16xi32>
          %and3A_214 = arith.andi %while3A_199, %eq3A_213 : vector<16xi1>
          tpu.vector_store_idx %arg13[%min3A_101], %add3A_150 masked %and3A_214 : memref<9216xi32, #tpu.memory_space<vmem>>[vector<16xi32>], vector<16xi32>, vector<16xi1>
          %gather3A_215 = tpu.vector_load_idx %arg13[%min3A_101] masked %while3A_199 : memref<9216xi32, #tpu.memory_space<vmem>>[vector<16xi32>], vector<16xi32>, vector<16xi1>
          %lt3A_216 = arith.cmpi slt, %get3A_125, %gather3A_212 : vector<16xi32>
          %eq3A_217 = arith.cmpi eq, %get3A_125, %gather3A_212 : vector<16xi32>
          %gt3A_218 = arith.cmpi sgt, %add3A_150, %gather3A_215 : vector<16xi32>
          %and3A_219 = arith.andi %eq3A_217, %gt3A_218 : vector<16xi1>
          %or3A_220 = arith.ori %lt3A_216, %and3A_219 : vector<16xi1>
          %and3A_221 = arith.andi %while3A_199, %or3A_220 : vector<16xi1>
          tpu.vector_store_idx %arg12[%min3A_109], %get3A_129 masked %while3A_200 : memref<9216xi32, #tpu.memory_space<vmem>>[vector<16xi32>], vector<16xi32>, vector<16xi1>
          %gather3A_222 = tpu.vector_load_idx %arg12[%min3A_109] masked %while3A_200 : memref<9216xi32, #tpu.memory_space<vmem>>[vector<16xi32>], vector<16xi32>, vector<16xi1>
          %eq3A_223 = arith.cmpi eq, %get3A_129, %gather3A_222 : vector<16xi32>
          %and3A_224 = arith.andi %while3A_200, %eq3A_223 : vector<16xi1>
          tpu.vector_store_idx %arg13[%min3A_109], %add3A_159 masked %and3A_224 : memref<9216xi32, #tpu.memory_space<vmem>>[vector<16xi32>], vector<16xi32>, vector<16xi1>
          %gather3A_225 = tpu.vector_load_idx %arg13[%min3A_109] masked %while3A_200 : memref<9216xi32, #tpu.memory_space<vmem>>[vector<16xi32>], vector<16xi32>, vector<16xi1>
          %lt3A_226 = arith.cmpi slt, %get3A_129, %gather3A_222 : vector<16xi32>
          %eq3A_227 = arith.cmpi eq, %get3A_129, %gather3A_222 : vector<16xi32>
          %gt3A_228 = arith.cmpi sgt, %add3A_159, %gather3A_225 : vector<16xi32>
          %and3A_229 = arith.andi %eq3A_227, %gt3A_228 : vector<16xi1>
          %or3A_230 = arith.ori %lt3A_226, %and3A_229 : vector<16xi1>
          %and3A_231 = arith.andi %while3A_200, %or3A_230 : vector<16xi1>
          tpu.vector_store_idx %arg12[%min3A_117], %get3A_133 masked %while3A_201 : memref<9216xi32, #tpu.memory_space<vmem>>[vector<16xi32>], vector<16xi32>, vector<16xi1>
          %gather3A_232 = tpu.vector_load_idx %arg12[%min3A_117] masked %while3A_201 : memref<9216xi32, #tpu.memory_space<vmem>>[vector<16xi32>], vector<16xi32>, vector<16xi1>
          %eq3A_233 = arith.cmpi eq, %get3A_133, %gather3A_232 : vector<16xi32>
          %and3A_234 = arith.andi %while3A_201, %eq3A_233 : vector<16xi1>
          tpu.vector_store_idx %arg13[%min3A_117], %add3A_168 masked %and3A_234 : memref<9216xi32, #tpu.memory_space<vmem>>[vector<16xi32>], vector<16xi32>, vector<16xi1>
          %gather3A_235 = tpu.vector_load_idx %arg13[%min3A_117] masked %while3A_201 : memref<9216xi32, #tpu.memory_space<vmem>>[vector<16xi32>], vector<16xi32>, vector<16xi1>
          %lt3A_236 = arith.cmpi slt, %get3A_133, %gather3A_232 : vector<16xi32>
          %eq3A_237 = arith.cmpi eq, %get3A_133, %gather3A_232 : vector<16xi32>
          %gt3A_238 = arith.cmpi sgt, %add3A_168, %gather3A_235 : vector<16xi32>
          %and3A_239 = arith.andi %eq3A_237, %gt3A_238 : vector<16xi1>
          %or3A_240 = arith.ori %lt3A_236, %and3A_239 : vector<16xi1>
          %and3A_241 = arith.andi %while3A_201, %or3A_240 : vector<16xi1>
          scf.yield %and3A_211, %and3A_221, %and3A_231, %and3A_241 : vector<16xi1>, vector<16xi1>, vector<16xi1>, vector<16xi1>
        }
        %scan3A_197 = arith.constant 0 : i32
        scf.yield %scan3A_197 : i32
      }
      %scan3A_52 = arith.constant 256 : i32
      %scan3A_53 = arith.constant 0 : i32
      scf.yield %scan3A_53 : i32
    }
    %scan3A_19 = arith.constant 16 : i32
    %scan3A_20 = arith.constant 0 : i32
    %scan3A_21 = arith.constant 0 : i32
    %scan3A_22 = arith.constant 576 : i32
    %scan3A_23 = arith.addi %scan3A_21, %scan3A_22 : i32
    %scan3A_24 = arith.constant 1 : i32
    %scan3A_25 = scf.for %scan3A_41 = %scan3A_21 to %scan3A_23 step %scan3A_24 iter_args(%scan3A_42 = %scan3A_20) -> (i32)  : i32 {
      %mul3A_43 = arith.constant 16 : i32
      %mul3A_44 = arith.muli %scan3A_41, %mul3A_43 : i32
      %get3A = arith.index_cast %mul3A_44 : i32 to index
      %get3A_45 = tpu.vector_load %arg13[%get3A] {strides = array<i32>} : memref<9216xi32, #tpu.memory_space<vmem>>, vector<16xi32>,
      %mul3A_46 = arith.constant 16 : i32
      %mul3A_47 = arith.muli %scan3A_41, %mul3A_46 : i32
      %add3A_48 = arith.addi %mul3A_6, %mul3A_47 : i32
      %iota3A = tpu.iota {dimensions = array<i32: 0>} : vector<16xi32>
      %add3A_49 = vector.broadcast %add3A_48 : i32 to vector<16xi32>
      %add3A_50 = arith.addi %add3A_49, %iota3A : vector<16xi32>
      %ge3A = arith.constant 0 : i32
      %ge3A_51 = vector.broadcast %ge3A : i32 to vector<16xi32>
      %ge3A_52 = arith.cmpi sge, %get3A_45, %ge3A_51 : vector<16xi32>
      %select_n3A = arith.select %ge3A_52, %get3A_45, %add3A_50 : vector<16xi1>, vector<16xi32>
      %mul3A_53 = arith.constant 16 : i32
      %mul3A_54 = arith.muli %scan3A_41, %mul3A_53 : i32
      %swap3A = arith.index_cast %mul3A_54 : i32 to index
      %swap3A_55 = tpu.vector_load %arg14[%swap3A] {strides = array<i32>} : memref<9216xi32, #tpu.memory_space<vmem>>, vector<16xi32>,
      tpu.vector_store %arg14[%swap3A], %select_n3A {strides = array<i32>} : memref<9216xi32, #tpu.memory_space<vmem>>, vector<16xi32>,
      %scan3A_56 = arith.constant 0 : i32
      scf.yield %scan3A_56 : i32
    }
    %scan3A_26 = arith.constant 576 : i32
    %scan3A_27 = arith.constant 0 : i32
    %scan3A_28 = arith.constant 0 : i32
    %scan3A_29 = arith.constant 72 : i32
    %scan3A_30 = arith.addi %scan3A_28, %scan3A_29 : i32
    %scan3A_31 = arith.constant 1 : i32
    %scan3A_32 = scf.for %scan3A_41 = %scan3A_28 to %scan3A_30 step %scan3A_31 iter_args(%scan3A_42 = %scan3A_27) -> (i32)  : i32 {
      %mul3A_43 = arith.constant 128 : i32
      %mul3A_44 = arith.muli %scan3A_41, %mul3A_43 : i32
      %dma_start3A = tpu.memref_slice %arg15[%mul3A_44] : memref<9216xf32, #tpu.memory_space<vmem>> -> memref<128xf32, #tpu.memory_space<vmem>>
      %dma_start3A_45 = tpu.memref_slice %arg14[%mul3A_44] : memref<9216xi32, #tpu.memory_space<vmem>> -> memref<128xi32, #tpu.memory_space<vmem>>
      %dma_start3A_46 = arith.constant 0 : i32
      %dma_start3A_47 = tpu.memref_slice %arg4[%dma_start3A_46] : memref<524288xf32, #tpu.memory_space<hbm>> -> memref<524288xf32, #tpu.memory_space<hbm>>
      tpu.enqueue_indirect_dma source(%dma_start3A_47 : memref<524288xf32, #tpu.memory_space<hbm>>) target(%dma_start3A : memref<128xf32, #tpu.memory_space<vmem>>) offsets(%dma_start3A_45 : memref<128xi32, #tpu.memory_space<vmem>>) semaphore(%arg18 : memref<!tpu.dma_semaphore, #tpu.memory_space<semaphore_mem>>)
      %dma_start3A_48 = tpu.memref_slice %arg16[%mul3A_44] : memref<9216xf32, #tpu.memory_space<vmem>> -> memref<128xf32, #tpu.memory_space<vmem>>
      %dma_start3A_49 = tpu.memref_slice %arg14[%mul3A_44] : memref<9216xi32, #tpu.memory_space<vmem>> -> memref<128xi32, #tpu.memory_space<vmem>>
      %dma_start3A_50 = arith.constant 0 : i32
      %dma_start3A_51 = tpu.memref_slice %arg5[%dma_start3A_50] : memref<524288xf32, #tpu.memory_space<hbm>> -> memref<524288xf32, #tpu.memory_space<hbm>>
      tpu.enqueue_indirect_dma source(%dma_start3A_51 : memref<524288xf32, #tpu.memory_space<hbm>>) target(%dma_start3A_48 : memref<128xf32, #tpu.memory_space<vmem>>) offsets(%dma_start3A_49 : memref<128xi32, #tpu.memory_space<vmem>>) semaphore(%arg18 : memref<!tpu.dma_semaphore, #tpu.memory_space<semaphore_mem>>)
      %dma_start3A_52 = tpu.memref_slice %arg17[%mul3A_44] : memref<9216xf32, #tpu.memory_space<vmem>> -> memref<128xf32, #tpu.memory_space<vmem>>
      %dma_start3A_53 = tpu.memref_slice %arg14[%mul3A_44] : memref<9216xi32, #tpu.memory_space<vmem>> -> memref<128xi32, #tpu.memory_space<vmem>>
      %dma_start3A_54 = arith.constant 0 : i32
      %dma_start3A_55 = tpu.memref_slice %arg6[%dma_start3A_54] : memref<524288xf32, #tpu.memory_space<hbm>> -> memref<524288xf32, #tpu.memory_space<hbm>>
      tpu.enqueue_indirect_dma source(%dma_start3A_55 : memref<524288xf32, #tpu.memory_space<hbm>>) target(%dma_start3A_52 : memref<128xf32, #tpu.memory_space<vmem>>) offsets(%dma_start3A_53 : memref<128xi32, #tpu.memory_space<vmem>>) semaphore(%arg18 : memref<!tpu.dma_semaphore, #tpu.memory_space<semaphore_mem>>)
      %dma_wait3A = tpu.memref_slice %arg15[%mul3A_44] : memref<9216xf32, #tpu.memory_space<vmem>> -> memref<128xf32, #tpu.memory_space<vmem>>
      %dma_wait3A_56 = tpu.memref_slice %arg14[%mul3A_44] : memref<9216xi32, #tpu.memory_space<vmem>> -> memref<128xi32, #tpu.memory_space<vmem>>
      %dma_wait3A_57 = arith.constant 0 : i32
      %dma_wait3A_58 = tpu.memref_slice %arg4[%dma_wait3A_57] : memref<524288xf32, #tpu.memory_space<hbm>> -> memref<524288xf32, #tpu.memory_space<hbm>>
      tpu.wait_indirect_dma semaphore(%arg18 : memref<!tpu.dma_semaphore, #tpu.memory_space<semaphore_mem>>) src(%dma_wait3A_58 : memref<524288xf32, #tpu.memory_space<hbm>>) dst(%dma_wait3A : memref<128xf32, #tpu.memory_space<vmem>>)
      %dma_wait3A_59 = tpu.memref_slice %arg16[%mul3A_44] : memref<9216xf32, #tpu.memory_space<vmem>> -> memref<128xf32, #tpu.memory_space<vmem>>
      %dma_wait3A_60 = tpu.memref_slice %arg14[%mul3A_44] : memref<9216xi32, #tpu.memory_space<vmem>> -> memref<128xi32, #tpu.memory_space<vmem>>
      %dma_wait3A_61 = arith.constant 0 : i32
      %dma_wait3A_62 = tpu.memref_slice %arg5[%dma_wait3A_61] : memref<524288xf32, #tpu.memory_space<hbm>> -> memref<524288xf32, #tpu.memory_space<hbm>>
      tpu.wait_indirect_dma semaphore(%arg18 : memref<!tpu.dma_semaphore, #tpu.memory_space<semaphore_mem>>) src(%dma_wait3A_62 : memref<524288xf32, #tpu.memory_space<hbm>>) dst(%dma_wait3A_59 : memref<128xf32, #tpu.memory_space<vmem>>)
      %dma_wait3A_63 = tpu.memref_slice %arg17[%mul3A_44] : memref<9216xf32, #tpu.memory_space<vmem>> -> memref<128xf32, #tpu.memory_space<vmem>>
      %dma_wait3A_64 = tpu.memref_slice %arg14[%mul3A_44] : memref<9216xi32, #tpu.memory_space<vmem>> -> memref<128xi32, #tpu.memory_space<vmem>>
      %dma_wait3A_65 = arith.constant 0 : i32
      %dma_wait3A_66 = tpu.memref_slice %arg6[%dma_wait3A_65] : memref<524288xf32, #tpu.memory_space<hbm>> -> memref<524288xf32, #tpu.memory_space<hbm>>
      tpu.wait_indirect_dma semaphore(%arg18 : memref<!tpu.dma_semaphore, #tpu.memory_space<semaphore_mem>>) src(%dma_wait3A_66 : memref<524288xf32, #tpu.memory_space<hbm>>) dst(%dma_wait3A_63 : memref<128xf32, #tpu.memory_space<vmem>>)
      %scan3A_67 = arith.constant 0 : i32
      scf.yield %scan3A_67 : i32
    }
    %scan3A_33 = arith.constant 72 : i32
    %scan3A_34 = arith.constant 0 : i32
    %scan3A_35 = arith.constant 0 : i32
    %scan3A_36 = arith.constant 576 : i32
    %scan3A_37 = arith.addi %scan3A_35, %scan3A_36 : i32
    %scan3A_38 = arith.constant 1 : i32
    %scan3A_39 = scf.for %scan3A_41 = %scan3A_35 to %scan3A_37 step %scan3A_38 iter_args(%scan3A_42 = %scan3A_34) -> (i32)  : i32 {
      %mul3A_43 = arith.constant 16 : i32
      %mul3A_44 = arith.muli %scan3A_41, %mul3A_43 : i32
      %get3A = arith.index_cast %mul3A_44 : i32 to index
      %get3A_45 = tpu.vector_load %arg13[%get3A] {strides = array<i32>} : memref<9216xi32, #tpu.memory_space<vmem>>, vector<16xi32>,
      %ge3A = arith.constant 0 : i32
      %ge3A_46 = vector.broadcast %ge3A : i32 to vector<16xi32>
      %ge3A_47 = arith.cmpi sge, %get3A_45, %ge3A_46 : vector<16xi32>
      %get3A_48 = arith.index_cast %mul3A_44 : i32 to index
      %get3A_49 = tpu.vector_load %arg15[%get3A_48] {strides = array<i32>} : memref<9216xf32, #tpu.memory_space<vmem>>, vector<16xf32>,
      %jit3A = arith.constant -1.000000e-03 : f32
      %broadcast_in_dim3A = vector.broadcast %jit3A : f32 to vector<16xf32>
      %select_n3A = arith.select %ge3A_47, %get3A_49, %broadcast_in_dim3A : vector<16xi1>, vector<16xf32>
      %swap3A = arith.index_cast %mul3A_44 : i32 to index
      %swap3A_50 = tpu.vector_load %arg15[%swap3A] {strides = array<i32>} : memref<9216xf32, #tpu.memory_space<vmem>>, vector<16xf32>,
      tpu.vector_store %arg15[%swap3A], %select_n3A {strides = array<i32>} : memref<9216xf32, #tpu.memory_space<vmem>>, vector<16xf32>,
      %get3A_51 = arith.index_cast %mul3A_44 : i32 to index
      %get3A_52 = tpu.vector_load %arg16[%get3A_51] {strides = array<i32>} : memref<9216xf32, #tpu.memory_space<vmem>>, vector<16xf32>,
      %jit3A_53 = arith.constant -1.000000e-03 : f32
      %broadcast_in_dim3A_54 = vector.broadcast %jit3A_53 : f32 to vector<16xf32>
      %select_n3A_55 = arith.select %ge3A_47, %get3A_52, %broadcast_in_dim3A_54 : vector<16xi1>, vector<16xf32>
      %swap3A_56 = arith.index_cast %mul3A_44 : i32 to index
      %swap3A_57 = tpu.vector_load %arg16[%swap3A_56] {strides = array<i32>} : memref<9216xf32, #tpu.memory_space<vmem>>, vector<16xf32>,
      tpu.vector_store %arg16[%swap3A_56], %select_n3A_55 {strides = array<i32>} : memref<9216xf32, #tpu.memory_space<vmem>>, vector<16xf32>,
      %get3A_58 = arith.index_cast %mul3A_44 : i32 to index
      %get3A_59 = tpu.vector_load %arg17[%get3A_58] {strides = array<i32>} : memref<9216xf32, #tpu.memory_space<vmem>>, vector<16xf32>,
      %jit3A_60 = arith.constant -1.000000e-03 : f32
      %broadcast_in_dim3A_61 = vector.broadcast %jit3A_60 : f32 to vector<16xf32>
      %select_n3A_62 = arith.select %ge3A_47, %get3A_59, %broadcast_in_dim3A_61 : vector<16xi1>, vector<16xf32>
      %swap3A_63 = arith.index_cast %mul3A_44 : i32 to index
      %swap3A_64 = tpu.vector_load %arg17[%swap3A_63] {strides = array<i32>} : memref<9216xf32, #tpu.memory_space<vmem>>, vector<16xf32>,
      tpu.vector_store %arg17[%swap3A_63], %select_n3A_62 {strides = array<i32>} : memref<9216xf32, #tpu.memory_space<vmem>>, vector<16xf32>,
      %scan3A_65 = arith.constant 0 : i32
      scf.yield %scan3A_65 : i32
    }
    %scan3A_40 = arith.constant 576 : i32
    "tpu.region"() ({
      %run_scoped3A = tpu.sem_alloc : memref<!tpu.dma_semaphore, #tpu.memory_space<semaphore_mem>>
      %dma_start3A = tpu.memref_slice %arg7[%add3A] : memref<294912xf32, #tpu.memory_space<hbm>> -> memref<9216xf32, #tpu.memory_space<hbm>>
      %dma_start3A_41 = tpu.memref_slice %arg7[%add3A] : memref<294912xf32, #tpu.memory_space<hbm>> -> memref<9216xf32, #tpu.memory_space<hbm>>
      tpu.enqueue_dma source(%arg15 : memref<9216xf32, #tpu.memory_space<vmem>>) target(%dma_start3A_41 : memref<9216xf32, #tpu.memory_space<hbm>>) target_semaphore(%run_scoped3A : memref<!tpu.dma_semaphore, #tpu.memory_space<semaphore_mem>>)
      %dma_wait3A = tpu.memref_slice %arg7[%add3A] : memref<294912xf32, #tpu.memory_space<hbm>> -> memref<9216xf32, #tpu.memory_space<hbm>>
      %dma_wait3A_42 = tpu.memref_slice %arg7[%add3A] : memref<294912xf32, #tpu.memory_space<hbm>> -> memref<9216xf32, #tpu.memory_space<hbm>>
      tpu.wait_dma2 semaphore(%run_scoped3A : memref<!tpu.dma_semaphore, #tpu.memory_space<semaphore_mem>>) src(%arg15 : memref<9216xf32, #tpu.memory_space<vmem>>) dst(%dma_wait3A_42 : memref<9216xf32, #tpu.memory_space<hbm>>)
      tpu.yield
    }) : () -> ()
    "tpu.region"() ({
      %run_scoped3A = tpu.sem_alloc : memref<!tpu.dma_semaphore, #tpu.memory_space<semaphore_mem>>
      %dma_start3A = tpu.memref_slice %arg8[%add3A] : memref<294912xf32, #tpu.memory_space<hbm>> -> memref<9216xf32, #tpu.memory_space<hbm>>
      %dma_start3A_41 = tpu.memref_slice %arg8[%add3A] : memref<294912xf32, #tpu.memory_space<hbm>> -> memref<9216xf32, #tpu.memory_space<hbm>>
      tpu.enqueue_dma source(%arg16 : memref<9216xf32, #tpu.memory_space<vmem>>) target(%dma_start3A_41 : memref<9216xf32, #tpu.memory_space<hbm>>) target_semaphore(%run_scoped3A : memref<!tpu.dma_semaphore, #tpu.memory_space<semaphore_mem>>)
      %dma_wait3A = tpu.memref_slice %arg8[%add3A] : memref<294912xf32, #tpu.memory_space<hbm>> -> memref<9216xf32, #tpu.memory_space<hbm>>
      %dma_wait3A_42 = tpu.memref_slice %arg8[%add3A] : memref<294912xf32, #tpu.memory_space<hbm>> -> memref<9216xf32, #tpu.memory_space<hbm>>
      tpu.wait_dma2 semaphore(%run_scoped3A : memref<!tpu.dma_semaphore, #tpu.memory_space<semaphore_mem>>) src(%arg16 : memref<9216xf32, #tpu.memory_space<vmem>>) dst(%dma_wait3A_42 : memref<9216xf32, #tpu.memory_space<hbm>>)
      tpu.yield
    }) : () -> ()
    "tpu.region"() ({
      %run_scoped3A = tpu.sem_alloc : memref<!tpu.dma_semaphore, #tpu.memory_space<semaphore_mem>>
      %dma_start3A = tpu.memref_slice %arg9[%add3A] : memref<294912xf32, #tpu.memory_space<hbm>> -> memref<9216xf32, #tpu.memory_space<hbm>>
      %dma_start3A_41 = tpu.memref_slice %arg9[%add3A] : memref<294912xf32, #tpu.memory_space<hbm>> -> memref<9216xf32, #tpu.memory_space<hbm>>
      tpu.enqueue_dma source(%arg17 : memref<9216xf32, #tpu.memory_space<vmem>>) target(%dma_start3A_41 : memref<9216xf32, #tpu.memory_space<hbm>>) target_semaphore(%run_scoped3A : memref<!tpu.dma_semaphore, #tpu.memory_space<semaphore_mem>>)
      %dma_wait3A = tpu.memref_slice %arg9[%add3A] : memref<294912xf32, #tpu.memory_space<hbm>> -> memref<9216xf32, #tpu.memory_space<hbm>>
      %dma_wait3A_42 = tpu.memref_slice %arg9[%add3A] : memref<294912xf32, #tpu.memory_space<hbm>> -> memref<9216xf32, #tpu.memory_space<hbm>>
      tpu.wait_dma2 semaphore(%run_scoped3A : memref<!tpu.dma_semaphore, #tpu.memory_space<semaphore_mem>>) src(%arg17 : memref<9216xf32, #tpu.memory_space<vmem>>) dst(%dma_wait3A_42 : memref<9216xf32, #tpu.memory_space<hbm>>)
      tpu.yield
    }) : () -> ()
    return
  }
}

module attributes {stable_mosaic.version = 14 : i64} {
  func.func @_proj_kernel(%arg0: i32, %arg1: memref<1x3x3xf32, #tpu.memory_space<smem>>, %arg2: memref<1x4x4xf32, #tpu.memory_space<smem>>, %arg3: memref<1x4x512x512xf32, #tpu.memory_space<vmem>>, %arg4: memref<1x512x512xi32, #tpu.memory_space<vmem>>, %arg5: memref<1x512x512xi32, #tpu.memory_space<vmem>>) attributes {dimension_semantics = [#tpu.dimension_semantics<arbitrary>], iteration_bounds = array<i64: 2>, scalar_prefetch = 0 : i64, scratch_operands = 0 : i64, tpu.core_type = #tpu.core_type<tc>, window_params = [{transform_indices = @transform_0, window_bounds = array<i64: 1, 3, 3>}, {transform_indices = @transform_1, window_bounds = array<i64: 1, 4, 4>}, {transform_indices = @transform_2, window_bounds = array<i64: 1, 4, 512, 512>}, {transform_indices = @transform_3, window_bounds = array<i64: 1, 512, 512>}, {transform_indices = @transform_4, window_bounds = array<i64: 1, 512, 512>}]} {
    %get3A = arith.constant 0 : index
    %get3A_0 = arith.constant 0 : index
    %get3A_1 = arith.constant 0 : index
    %get3A_2 = arith.constant 0 : index
    %get3A_3 = vector.load %arg3[%get3A, %get3A_0, %get3A_1, %get3A_2] : memref<1x4x512x512xf32, #tpu.memory_space<vmem>>, vector<1x1x512x512xf32>
    %get3A_4 = vector.shape_cast %get3A_3 : vector<1x1x512x512xf32> to vector<512x512xf32>
    %convert_element_type3A = arith.truncf %get3A_4 : vector<512x512xf32> to vector<512x512xbf16>
    %convert_element_type3A_5 = arith.extf %convert_element_type3A : vector<512x512xbf16> to vector<512x512xf32>
    %get3A_6 = arith.constant 0 : index
    %get3A_7 = arith.constant 1 : index
    %get3A_8 = arith.constant 0 : index
    %get3A_9 = arith.constant 0 : index
    %get3A_10 = vector.load %arg3[%get3A_6, %get3A_7, %get3A_8, %get3A_9] : memref<1x4x512x512xf32, #tpu.memory_space<vmem>>, vector<1x1x512x512xf32>
    %get3A_11 = vector.shape_cast %get3A_10 : vector<1x1x512x512xf32> to vector<512x512xf32>
    %convert_element_type3A_12 = arith.truncf %get3A_11 : vector<512x512xf32> to vector<512x512xbf16>
    %convert_element_type3A_13 = arith.extf %convert_element_type3A_12 : vector<512x512xbf16> to vector<512x512xf32>
    %get3A_14 = arith.constant 0 : index
    %get3A_15 = arith.constant 2 : index
    %get3A_16 = arith.constant 0 : index
    %get3A_17 = arith.constant 0 : index
    %get3A_18 = vector.load %arg3[%get3A_14, %get3A_15, %get3A_16, %get3A_17] : memref<1x4x512x512xf32, #tpu.memory_space<vmem>>, vector<1x1x512x512xf32>
    %get3A_19 = vector.shape_cast %get3A_18 : vector<1x1x512x512xf32> to vector<512x512xf32>
    %convert_element_type3A_20 = arith.truncf %get3A_19 : vector<512x512xf32> to vector<512x512xbf16>
    %convert_element_type3A_21 = arith.extf %convert_element_type3A_20 : vector<512x512xbf16> to vector<512x512xf32>
    %get3A_22 = arith.constant 0 : index
    %get3A_23 = arith.constant 3 : index
    %get3A_24 = arith.constant 0 : index
    %get3A_25 = arith.constant 0 : index
    %get3A_26 = vector.load %arg3[%get3A_22, %get3A_23, %get3A_24, %get3A_25] : memref<1x4x512x512xf32, #tpu.memory_space<vmem>>, vector<1x1x512x512xf32>
    %get3A_27 = vector.shape_cast %get3A_26 : vector<1x1x512x512xf32> to vector<512x512xf32>
    %convert_element_type3A_28 = arith.truncf %get3A_27 : vector<512x512xf32> to vector<512x512xbf16>
    %convert_element_type3A_29 = arith.extf %convert_element_type3A_28 : vector<512x512xbf16> to vector<512x512xf32>
    %get3A_30 = arith.constant 0 : index
    %get3A_31 = arith.constant 0 : index
    %get3A_32 = arith.constant 0 : index
    %get3A_33 = memref.load %arg2[%get3A_30, %get3A_31, %get3A_32] : memref<1x4x4xf32, #tpu.memory_space<smem>>
    %convert_element_type3A_34 = arith.truncf %get3A_33 : f32 to bf16
    %convert_element_type3A_35 = arith.extf %convert_element_type3A_34 : bf16 to f32
    %mul3A = vector.broadcast %convert_element_type3A_35 : f32 to vector<512x512xf32>
    %mul3A_36 = arith.mulf %mul3A, %convert_element_type3A_5 : vector<512x512xf32>
    %get3A_37 = arith.constant 0 : index
    %get3A_38 = arith.constant 0 : index
    %get3A_39 = arith.constant 1 : index
    %get3A_40 = memref.load %arg2[%get3A_37, %get3A_38, %get3A_39] : memref<1x4x4xf32, #tpu.memory_space<smem>>
    %convert_element_type3A_41 = arith.truncf %get3A_40 : f32 to bf16
    %convert_element_type3A_42 = arith.extf %convert_element_type3A_41 : bf16 to f32
    %mul3A_43 = vector.broadcast %convert_element_type3A_42 : f32 to vector<512x512xf32>
    %mul3A_44 = arith.mulf %mul3A_43, %convert_element_type3A_13 : vector<512x512xf32>
    %add3A = arith.addf %mul3A_36, %mul3A_44 : vector<512x512xf32>
    %get3A_45 = arith.constant 0 : index
    %get3A_46 = arith.constant 0 : index
    %get3A_47 = arith.constant 2 : index
    %get3A_48 = memref.load %arg2[%get3A_45, %get3A_46, %get3A_47] : memref<1x4x4xf32, #tpu.memory_space<smem>>
    %convert_element_type3A_49 = arith.truncf %get3A_48 : f32 to bf16
    %convert_element_type3A_50 = arith.extf %convert_element_type3A_49 : bf16 to f32
    %mul3A_51 = vector.broadcast %convert_element_type3A_50 : f32 to vector<512x512xf32>
    %mul3A_52 = arith.mulf %mul3A_51, %convert_element_type3A_21 : vector<512x512xf32>
    %get3A_53 = arith.constant 0 : index
    %get3A_54 = arith.constant 0 : index
    %get3A_55 = arith.constant 3 : index
    %get3A_56 = memref.load %arg2[%get3A_53, %get3A_54, %get3A_55] : memref<1x4x4xf32, #tpu.memory_space<smem>>
    %convert_element_type3A_57 = arith.truncf %get3A_56 : f32 to bf16
    %convert_element_type3A_58 = arith.extf %convert_element_type3A_57 : bf16 to f32
    %mul3A_59 = vector.broadcast %convert_element_type3A_58 : f32 to vector<512x512xf32>
    %mul3A_60 = arith.mulf %mul3A_59, %convert_element_type3A_29 : vector<512x512xf32>
    %add3A_61 = arith.addf %mul3A_52, %mul3A_60 : vector<512x512xf32>
    %add3A_62 = arith.addf %add3A, %add3A_61 : vector<512x512xf32>
    %get3A_63 = arith.constant 0 : index
    %get3A_64 = arith.constant 1 : index
    %get3A_65 = arith.constant 0 : index
    %get3A_66 = memref.load %arg2[%get3A_63, %get3A_64, %get3A_65] : memref<1x4x4xf32, #tpu.memory_space<smem>>
    %convert_element_type3A_67 = arith.truncf %get3A_66 : f32 to bf16
    %convert_element_type3A_68 = arith.extf %convert_element_type3A_67 : bf16 to f32
    %mul3A_69 = vector.broadcast %convert_element_type3A_68 : f32 to vector<512x512xf32>
    %mul3A_70 = arith.mulf %mul3A_69, %convert_element_type3A_5 : vector<512x512xf32>
    %get3A_71 = arith.constant 0 : index
    %get3A_72 = arith.constant 1 : index
    %get3A_73 = arith.constant 1 : index
    %get3A_74 = memref.load %arg2[%get3A_71, %get3A_72, %get3A_73] : memref<1x4x4xf32, #tpu.memory_space<smem>>
    %convert_element_type3A_75 = arith.truncf %get3A_74 : f32 to bf16
    %convert_element_type3A_76 = arith.extf %convert_element_type3A_75 : bf16 to f32
    %mul3A_77 = vector.broadcast %convert_element_type3A_76 : f32 to vector<512x512xf32>
    %mul3A_78 = arith.mulf %mul3A_77, %convert_element_type3A_13 : vector<512x512xf32>
    %add3A_79 = arith.addf %mul3A_70, %mul3A_78 : vector<512x512xf32>
    %get3A_80 = arith.constant 0 : index
    %get3A_81 = arith.constant 1 : index
    %get3A_82 = arith.constant 2 : index
    %get3A_83 = memref.load %arg2[%get3A_80, %get3A_81, %get3A_82] : memref<1x4x4xf32, #tpu.memory_space<smem>>
    %convert_element_type3A_84 = arith.truncf %get3A_83 : f32 to bf16
    %convert_element_type3A_85 = arith.extf %convert_element_type3A_84 : bf16 to f32
    %mul3A_86 = vector.broadcast %convert_element_type3A_85 : f32 to vector<512x512xf32>
    %mul3A_87 = arith.mulf %mul3A_86, %convert_element_type3A_21 : vector<512x512xf32>
    %get3A_88 = arith.constant 0 : index
    %get3A_89 = arith.constant 1 : index
    %get3A_90 = arith.constant 3 : index
    %get3A_91 = memref.load %arg2[%get3A_88, %get3A_89, %get3A_90] : memref<1x4x4xf32, #tpu.memory_space<smem>>
    %convert_element_type3A_92 = arith.truncf %get3A_91 : f32 to bf16
    %convert_element_type3A_93 = arith.extf %convert_element_type3A_92 : bf16 to f32
    %mul3A_94 = vector.broadcast %convert_element_type3A_93 : f32 to vector<512x512xf32>
    %mul3A_95 = arith.mulf %mul3A_94, %convert_element_type3A_29 : vector<512x512xf32>
    %add3A_96 = arith.addf %mul3A_87, %mul3A_95 : vector<512x512xf32>
    %add3A_97 = arith.addf %add3A_79, %add3A_96 : vector<512x512xf32>
    %get3A_98 = arith.constant 0 : index
    %get3A_99 = arith.constant 2 : index
    %get3A_100 = arith.constant 0 : index
    %get3A_101 = memref.load %arg2[%get3A_98, %get3A_99, %get3A_100] : memref<1x4x4xf32, #tpu.memory_space<smem>>
    %convert_element_type3A_102 = arith.truncf %get3A_101 : f32 to bf16
    %convert_element_type3A_103 = arith.extf %convert_element_type3A_102 : bf16 to f32
    %mul3A_104 = vector.broadcast %convert_element_type3A_103 : f32 to vector<512x512xf32>
    %mul3A_105 = arith.mulf %mul3A_104, %convert_element_type3A_5 : vector<512x512xf32>
    %get3A_106 = arith.constant 0 : index
    %get3A_107 = arith.constant 2 : index
    %get3A_108 = arith.constant 1 : index
    %get3A_109 = memref.load %arg2[%get3A_106, %get3A_107, %get3A_108] : memref<1x4x4xf32, #tpu.memory_space<smem>>
    %convert_element_type3A_110 = arith.truncf %get3A_109 : f32 to bf16
    %convert_element_type3A_111 = arith.extf %convert_element_type3A_110 : bf16 to f32
    %mul3A_112 = vector.broadcast %convert_element_type3A_111 : f32 to vector<512x512xf32>
    %mul3A_113 = arith.mulf %mul3A_112, %convert_element_type3A_13 : vector<512x512xf32>
    %add3A_114 = arith.addf %mul3A_105, %mul3A_113 : vector<512x512xf32>
    %get3A_115 = arith.constant 0 : index
    %get3A_116 = arith.constant 2 : index
    %get3A_117 = arith.constant 2 : index
    %get3A_118 = memref.load %arg2[%get3A_115, %get3A_116, %get3A_117] : memref<1x4x4xf32, #tpu.memory_space<smem>>
    %convert_element_type3A_119 = arith.truncf %get3A_118 : f32 to bf16
    %convert_element_type3A_120 = arith.extf %convert_element_type3A_119 : bf16 to f32
    %mul3A_121 = vector.broadcast %convert_element_type3A_120 : f32 to vector<512x512xf32>
    %mul3A_122 = arith.mulf %mul3A_121, %convert_element_type3A_21 : vector<512x512xf32>
    %get3A_123 = arith.constant 0 : index
    %get3A_124 = arith.constant 2 : index
    %get3A_125 = arith.constant 3 : index
    %get3A_126 = memref.load %arg2[%get3A_123, %get3A_124, %get3A_125] : memref<1x4x4xf32, #tpu.memory_space<smem>>
    %convert_element_type3A_127 = arith.truncf %get3A_126 : f32 to bf16
    %convert_element_type3A_128 = arith.extf %convert_element_type3A_127 : bf16 to f32
    %mul3A_129 = vector.broadcast %convert_element_type3A_128 : f32 to vector<512x512xf32>
    %mul3A_130 = arith.mulf %mul3A_129, %convert_element_type3A_29 : vector<512x512xf32>
    %add3A_131 = arith.addf %mul3A_122, %mul3A_130 : vector<512x512xf32>
    %add3A_132 = arith.addf %add3A_114, %add3A_131 : vector<512x512xf32>
    %convert_element_type3A_133 = arith.truncf %add3A_62 : vector<512x512xf32> to vector<512x512xbf16>
    %convert_element_type3A_134 = arith.extf %convert_element_type3A_133 : vector<512x512xbf16> to vector<512x512xf32>
    %convert_element_type3A_135 = arith.truncf %add3A_97 : vector<512x512xf32> to vector<512x512xbf16>
    %convert_element_type3A_136 = arith.extf %convert_element_type3A_135 : vector<512x512xbf16> to vector<512x512xf32>
    %convert_element_type3A_137 = arith.truncf %add3A_132 : vector<512x512xf32> to vector<512x512xbf16>
    %convert_element_type3A_138 = arith.extf %convert_element_type3A_137 : vector<512x512xbf16> to vector<512x512xf32>
    %get3A_139 = arith.constant 0 : index
    %get3A_140 = arith.constant 0 : index
    %get3A_141 = arith.constant 0 : index
    %get3A_142 = memref.load %arg1[%get3A_139, %get3A_140, %get3A_141] : memref<1x3x3xf32, #tpu.memory_space<smem>>
    %convert_element_type3A_143 = arith.truncf %get3A_142 : f32 to bf16
    %convert_element_type3A_144 = arith.extf %convert_element_type3A_143 : bf16 to f32
    %mul3A_145 = vector.broadcast %convert_element_type3A_144 : f32 to vector<512x512xf32>
    %mul3A_146 = arith.mulf %mul3A_145, %convert_element_type3A_134 : vector<512x512xf32>
    %get3A_147 = arith.constant 0 : index
    %get3A_148 = arith.constant 0 : index
    %get3A_149 = arith.constant 1 : index
    %get3A_150 = memref.load %arg1[%get3A_147, %get3A_148, %get3A_149] : memref<1x3x3xf32, #tpu.memory_space<smem>>
    %convert_element_type3A_151 = arith.truncf %get3A_150 : f32 to bf16
    %convert_element_type3A_152 = arith.extf %convert_element_type3A_151 : bf16 to f32
    %mul3A_153 = vector.broadcast %convert_element_type3A_152 : f32 to vector<512x512xf32>
    %mul3A_154 = arith.mulf %mul3A_153, %convert_element_type3A_136 : vector<512x512xf32>
    %add3A_155 = arith.addf %mul3A_146, %mul3A_154 : vector<512x512xf32>
    %get3A_156 = arith.constant 0 : index
    %get3A_157 = arith.constant 0 : index
    %get3A_158 = arith.constant 2 : index
    %get3A_159 = memref.load %arg1[%get3A_156, %get3A_157, %get3A_158] : memref<1x3x3xf32, #tpu.memory_space<smem>>
    %convert_element_type3A_160 = arith.truncf %get3A_159 : f32 to bf16
    %convert_element_type3A_161 = arith.extf %convert_element_type3A_160 : bf16 to f32
    %mul3A_162 = vector.broadcast %convert_element_type3A_161 : f32 to vector<512x512xf32>
    %mul3A_163 = arith.mulf %mul3A_162, %convert_element_type3A_138 : vector<512x512xf32>
    %add3A_164 = arith.addf %add3A_155, %mul3A_163 : vector<512x512xf32>
    %get3A_165 = arith.constant 0 : index
    %get3A_166 = arith.constant 1 : index
    %get3A_167 = arith.constant 0 : index
    %get3A_168 = memref.load %arg1[%get3A_165, %get3A_166, %get3A_167] : memref<1x3x3xf32, #tpu.memory_space<smem>>
    %convert_element_type3A_169 = arith.truncf %get3A_168 : f32 to bf16
    %convert_element_type3A_170 = arith.extf %convert_element_type3A_169 : bf16 to f32
    %mul3A_171 = vector.broadcast %convert_element_type3A_170 : f32 to vector<512x512xf32>
    %mul3A_172 = arith.mulf %mul3A_171, %convert_element_type3A_134 : vector<512x512xf32>
    %get3A_173 = arith.constant 0 : index
    %get3A_174 = arith.constant 1 : index
    %get3A_175 = arith.constant 1 : index
    %get3A_176 = memref.load %arg1[%get3A_173, %get3A_174, %get3A_175] : memref<1x3x3xf32, #tpu.memory_space<smem>>
    %convert_element_type3A_177 = arith.truncf %get3A_176 : f32 to bf16
    %convert_element_type3A_178 = arith.extf %convert_element_type3A_177 : bf16 to f32
    %mul3A_179 = vector.broadcast %convert_element_type3A_178 : f32 to vector<512x512xf32>
    %mul3A_180 = arith.mulf %mul3A_179, %convert_element_type3A_136 : vector<512x512xf32>
    %add3A_181 = arith.addf %mul3A_172, %mul3A_180 : vector<512x512xf32>
    %get3A_182 = arith.constant 0 : index
    %get3A_183 = arith.constant 1 : index
    %get3A_184 = arith.constant 2 : index
    %get3A_185 = memref.load %arg1[%get3A_182, %get3A_183, %get3A_184] : memref<1x3x3xf32, #tpu.memory_space<smem>>
    %convert_element_type3A_186 = arith.truncf %get3A_185 : f32 to bf16
    %convert_element_type3A_187 = arith.extf %convert_element_type3A_186 : bf16 to f32
    %mul3A_188 = vector.broadcast %convert_element_type3A_187 : f32 to vector<512x512xf32>
    %mul3A_189 = arith.mulf %mul3A_188, %convert_element_type3A_138 : vector<512x512xf32>
    %add3A_190 = arith.addf %add3A_181, %mul3A_189 : vector<512x512xf32>
    %get3A_191 = arith.constant 0 : index
    %get3A_192 = arith.constant 2 : index
    %get3A_193 = arith.constant 0 : index
    %get3A_194 = memref.load %arg1[%get3A_191, %get3A_192, %get3A_193] : memref<1x3x3xf32, #tpu.memory_space<smem>>
    %convert_element_type3A_195 = arith.truncf %get3A_194 : f32 to bf16
    %convert_element_type3A_196 = arith.extf %convert_element_type3A_195 : bf16 to f32
    %mul3A_197 = vector.broadcast %convert_element_type3A_196 : f32 to vector<512x512xf32>
    %mul3A_198 = arith.mulf %mul3A_197, %convert_element_type3A_134 : vector<512x512xf32>
    %get3A_199 = arith.constant 0 : index
    %get3A_200 = arith.constant 2 : index
    %get3A_201 = arith.constant 1 : index
    %get3A_202 = memref.load %arg1[%get3A_199, %get3A_200, %get3A_201] : memref<1x3x3xf32, #tpu.memory_space<smem>>
    %convert_element_type3A_203 = arith.truncf %get3A_202 : f32 to bf16
    %convert_element_type3A_204 = arith.extf %convert_element_type3A_203 : bf16 to f32
    %mul3A_205 = vector.broadcast %convert_element_type3A_204 : f32 to vector<512x512xf32>
    %mul3A_206 = arith.mulf %mul3A_205, %convert_element_type3A_136 : vector<512x512xf32>
    %add3A_207 = arith.addf %mul3A_198, %mul3A_206 : vector<512x512xf32>
    %get3A_208 = arith.constant 0 : index
    %get3A_209 = arith.constant 2 : index
    %get3A_210 = arith.constant 2 : index
    %get3A_211 = memref.load %arg1[%get3A_208, %get3A_209, %get3A_210] : memref<1x3x3xf32, #tpu.memory_space<smem>>
    %convert_element_type3A_212 = arith.truncf %get3A_211 : f32 to bf16
    %convert_element_type3A_213 = arith.extf %convert_element_type3A_212 : bf16 to f32
    %mul3A_214 = vector.broadcast %convert_element_type3A_213 : f32 to vector<512x512xf32>
    %mul3A_215 = arith.mulf %mul3A_214, %convert_element_type3A_138 : vector<512x512xf32>
    %add3A_216 = arith.addf %add3A_207, %mul3A_215 : vector<512x512xf32>
    %div3A = arith.divf %add3A_164, %add3A_216 : vector<512x512xf32>
    %jit3A = arith.constant 0.000000e+00 : f32
    %jit3A_217 = arith.constant 383 : i32
    %max3A = vector.broadcast %jit3A : f32 to vector<512x512xf32>
    %max3A_218 = arith.maximumf %max3A, %div3A : vector<512x512xf32>
    %convert_element_type3A_219 = arith.sitofp %jit3A_217 : i32 to f32
    %min3A = vector.broadcast %convert_element_type3A_219 : f32 to vector<512x512xf32>
    %min3A_220 = arith.minimumf %min3A, %max3A_218 : vector<512x512xf32>
    %convert_element_type3A_221 = arith.fptosi %min3A_220 : vector<512x512xf32> to vector<512x512xi32>
    %div3A_222 = arith.divf %add3A_190, %add3A_216 : vector<512x512xf32>
    %jit3A_223 = arith.constant 0.000000e+00 : f32
    %jit3A_224 = arith.constant 383 : i32
    %max3A_225 = vector.broadcast %jit3A_223 : f32 to vector<512x512xf32>
    %max3A_226 = arith.maximumf %max3A_225, %div3A_222 : vector<512x512xf32>
    %convert_element_type3A_227 = arith.sitofp %jit3A_224 : i32 to f32
    %min3A_228 = vector.broadcast %convert_element_type3A_227 : f32 to vector<512x512xf32>
    %min3A_229 = arith.minimumf %min3A_228, %max3A_226 : vector<512x512xf32>
    %convert_element_type3A_230 = arith.fptosi %min3A_229 : vector<512x512xf32> to vector<512x512xi32>
    %mul3A_231 = arith.constant 147456 : i32
    %mul3A_232 = arith.muli %arg0, %mul3A_231 : i32
    %mul3A_233 = arith.constant 384 : i32
    %mul3A_234 = vector.broadcast %mul3A_233 : i32 to vector<512x512xi32>
    %mul3A_235 = arith.muli %convert_element_type3A_230, %mul3A_234 : vector<512x512xi32>
    %add3A_236 = vector.broadcast %mul3A_232 : i32 to vector<512x512xi32>
    %add3A_237 = arith.addi %add3A_236, %mul3A_235 : vector<512x512xi32>
    %add3A_238 = arith.addi %add3A_237, %convert_element_type3A_221 : vector<512x512xi32>
    %swap3A = arith.constant 0 : index
    %swap3A_239 = arith.constant 0 : index
    %swap3A_240 = arith.constant 0 : index
    %swap3A_241 = vector.load %arg4[%swap3A, %swap3A_239, %swap3A_240] : memref<1x512x512xi32, #tpu.memory_space<vmem>>, vector<1x512x512xi32>
    %swap3A_242 = vector.shape_cast %swap3A_241 : vector<1x512x512xi32> to vector<512x512xi32>
    %swap3A_243 = vector.shape_cast %add3A_238 : vector<512x512xi32> to vector<1x512x512xi32>
    tpu.vector_store %arg4[%swap3A, %swap3A_239, %swap3A_240], %swap3A_243 {strides = array<i32>} : memref<1x512x512xi32, #tpu.memory_space<vmem>>, vector<1x512x512xi32>,
    %convert_element_type3A_244 = arith.fptosi %add3A_132 : vector<512x512xf32> to vector<512x512xi32>
    %swap3A_245 = arith.constant 0 : index
    %swap3A_246 = arith.constant 0 : index
    %swap3A_247 = arith.constant 0 : index
    %swap3A_248 = vector.load %arg5[%swap3A_245, %swap3A_246, %swap3A_247] : memref<1x512x512xi32, #tpu.memory_space<vmem>>, vector<1x512x512xi32>
    %swap3A_249 = vector.shape_cast %swap3A_248 : vector<1x512x512xi32> to vector<512x512xi32>
    %swap3A_250 = vector.shape_cast %convert_element_type3A_244 : vector<512x512xi32> to vector<1x512x512xi32>
    tpu.vector_store %arg5[%swap3A_245, %swap3A_246, %swap3A_247], %swap3A_250 {strides = array<i32>} : memref<1x512x512xi32, #tpu.memory_space<vmem>>, vector<1x512x512xi32>,
    return
  }
  func.func @transform_0(%arg0: i32) -> (i32, i32, i32) {
    %c0_i32 = arith.constant 0 : i32
    %c0_i32_0 = arith.constant 0 : i32
    %c0_i32_1 = arith.constant 0 : i32
    return %arg0, %c0_i32, %c0_i32_0 : i32, i32, i32
  }
  func.func @transform_1(%arg0: i32) -> (i32, i32, i32) {
    %c0_i32 = arith.constant 0 : i32
    %c0_i32_0 = arith.constant 0 : i32
    %c0_i32_1 = arith.constant 0 : i32
    return %arg0, %c0_i32, %c0_i32_0 : i32, i32, i32
  }
  func.func @transform_2(%arg0: i32) -> (i32, i32, i32, i32) {
    %c0_i32 = arith.constant 0 : i32
    %c0_i32_0 = arith.constant 0 : i32
    %c0_i32_1 = arith.constant 0 : i32
    %c0_i32_2 = arith.constant 0 : i32
    return %arg0, %c0_i32, %c0_i32_0, %c0_i32_1 : i32, i32, i32, i32
  }
  func.func @transform_3(%arg0: i32) -> (i32, i32, i32) {
    %c0_i32 = arith.constant 0 : i32
    %c0_i32_0 = arith.constant 0 : i32
    %c0_i32_1 = arith.constant 0 : i32
    return %arg0, %c0_i32, %c0_i32_0 : i32, i32, i32
  }
  func.func @transform_4(%arg0: i32) -> (i32, i32, i32) {
    %c0_i32 = arith.constant 0 : i32
    %c0_i32_0 = arith.constant 0 : i32
    %c0_i32_1 = arith.constant 0 : i32
    return %arg0, %c0_i32, %c0_i32_0 : i32, i32, i32
  }
}

module attributes {stable_mosaic.version = 14 : i64} {
  func.func @_inpaint_kernel(%arg0: i32, %arg1: memref<1x3x384x384xf32, #tpu.memory_space<vmem>>, %arg2: memref<1x3x384x384xf32, #tpu.memory_space<vmem>>) attributes {dimension_semantics = [#tpu.dimension_semantics<arbitrary>], iteration_bounds = array<i64: 2>, scalar_prefetch = 0 : i64, scratch_operands = 0 : i64, tpu.core_type = #tpu.core_type<tc>, window_params = [{transform_indices = @transform_0, window_bounds = array<i64: 1, 3, 384, 384>}, {transform_indices = @transform_1, window_bounds = array<i64: 1, 3, 384, 384>}]} {
    %get3A = arith.constant 0 : index
    %get3A_0 = arith.constant 0 : index
    %get3A_1 = arith.constant 0 : index
    %get3A_2 = arith.constant 0 : index
    %get3A_3 = vector.load %arg1[%get3A, %get3A_0, %get3A_1, %get3A_2] : memref<1x3x384x384xf32, #tpu.memory_space<vmem>>, vector<1x1x384x384xf32>
    %get3A_4 = vector.shape_cast %get3A_3 : vector<1x1x384x384xf32> to vector<384x384xf32>
    %le3A = arith.constant 0.000000e+00 : f32
    %le3A_5 = vector.broadcast %le3A : f32 to vector<384x384xf32>
    %le3A_6 = arith.cmpf ole, %get3A_4, %le3A_5 : vector<384x384xf32>
    %get3A_7 = arith.constant 0 : index
    %get3A_8 = arith.constant 0 : index
    %get3A_9 = arith.constant 0 : index
    %get3A_10 = arith.constant 0 : index
    %get3A_11 = vector.load %arg1[%get3A_7, %get3A_8, %get3A_9, %get3A_10] : memref<1x3x384x384xf32, #tpu.memory_space<vmem>>, vector<1x1x384x384xf32>
    %get3A_12 = vector.shape_cast %get3A_11 : vector<1x1x384x384xf32> to vector<384x384xf32>
    %get3A_13 = arith.constant 0 : index
    %get3A_14 = arith.constant 1 : index
    %get3A_15 = arith.constant 0 : index
    %get3A_16 = arith.constant 0 : index
    %get3A_17 = vector.load %arg1[%get3A_13, %get3A_14, %get3A_15, %get3A_16] : memref<1x3x384x384xf32, #tpu.memory_space<vmem>>, vector<1x1x384x384xf32>
    %get3A_18 = vector.shape_cast %get3A_17 : vector<1x1x384x384xf32> to vector<384x384xf32>
    %get3A_19 = arith.constant 0 : index
    %get3A_20 = arith.constant 2 : index
    %get3A_21 = arith.constant 0 : index
    %get3A_22 = arith.constant 0 : index
    %get3A_23 = vector.load %arg1[%get3A_19, %get3A_20, %get3A_21, %get3A_22] : memref<1x3x384x384xf32, #tpu.memory_space<vmem>>, vector<1x1x384x384xf32>
    %get3A_24 = vector.shape_cast %get3A_23 : vector<1x1x384x384xf32> to vector<384x384xf32>
    %scan3A = arith.constant 0 : i32
    %scan3A_25 = arith.constant 10 : i32
    %scan3A_26 = arith.addi %scan3A, %scan3A_25 : i32
    %scan3A_27 = arith.constant 1 : i32
    %scan3A_28:3 = scf.for %scan3A_91 = %scan3A to %scan3A_26 step %scan3A_27 iter_args(%scan3A_92 = %get3A_12, %scan3A_93 = %get3A_18, %scan3A_94 = %get3A_24) -> (vector<384x384xf32>, vector<384x384xf32>, vector<384x384xf32>)  : i32 {
      %slice3A_95 = vector.extract_strided_slice %scan3A_92 {offsets = [2, 0], sizes = [1, 384], strides = [1, 1]} : vector<384x384xf32> to vector<1x384xf32>
      %slice3A_96 = vector.extract_strided_slice %scan3A_92 {offsets = [1, 0], sizes = [1, 384], strides = [1, 1]} : vector<384x384xf32> to vector<1x384xf32>
      %slice3A_97 = vector.extract_strided_slice %scan3A_92 {offsets = [382, 0], sizes = [1, 384], strides = [1, 1]} : vector<384x384xf32> to vector<1x384xf32>
      %slice3A_98 = vector.extract_strided_slice %scan3A_92 {offsets = [381, 0], sizes = [1, 384], strides = [1, 1]} : vector<384x384xf32> to vector<1x384xf32>
      %concatenate3A = tpu.concatenate %slice3A_95, %slice3A_96, %scan3A_92, %slice3A_97, %slice3A_98 in 0 : vector<1x384xf32>, vector<1x384xf32>, vector<384x384xf32>, vector<1x384xf32>, vector<1x384xf32> -> vector<388x384xf32>
      %slice3A_99 = vector.extract_strided_slice %concatenate3A {offsets = [0, 2], sizes = [388, 1], strides = [1, 1]} : vector<388x384xf32> to vector<388x1xf32>
      %slice3A_100 = vector.extract_strided_slice %concatenate3A {offsets = [0, 1], sizes = [388, 1], strides = [1, 1]} : vector<388x384xf32> to vector<388x1xf32>
      %slice3A_101 = vector.extract_strided_slice %concatenate3A {offsets = [0, 382], sizes = [388, 1], strides = [1, 1]} : vector<388x384xf32> to vector<388x1xf32>
      %slice3A_102 = vector.extract_strided_slice %concatenate3A {offsets = [0, 381], sizes = [388, 1], strides = [1, 1]} : vector<388x384xf32> to vector<388x1xf32>
      %concatenate3A_103 = tpu.concatenate %slice3A_99, %slice3A_100, %concatenate3A, %slice3A_101, %slice3A_102 in 1 : vector<388x1xf32>, vector<388x1xf32>, vector<388x384xf32>, vector<388x1xf32>, vector<388x1xf32> -> vector<388x388xf32>
      %slice3A_104 = vector.extract_strided_slice %concatenate3A_103 {offsets = [0, 0], sizes = [384, 384], strides = [1, 1]} : vector<388x388xf32> to vector<384x384xf32>
      %slice3A_105 = vector.extract_strided_slice %concatenate3A_103 {offsets = [0, 1], sizes = [384, 384], strides = [1, 1]} : vector<388x388xf32> to vector<384x384xf32>
      %slice3A_106 = vector.extract_strided_slice %concatenate3A_103 {offsets = [0, 2], sizes = [384, 384], strides = [1, 1]} : vector<388x388xf32> to vector<384x384xf32>
      %slice3A_107 = vector.extract_strided_slice %concatenate3A_103 {offsets = [0, 3], sizes = [384, 384], strides = [1, 1]} : vector<388x388xf32> to vector<384x384xf32>
      %slice3A_108 = vector.extract_strided_slice %concatenate3A_103 {offsets = [0, 4], sizes = [384, 384], strides = [1, 1]} : vector<388x388xf32> to vector<384x384xf32>
      %slice3A_109 = vector.extract_strided_slice %concatenate3A_103 {offsets = [1, 0], sizes = [384, 384], strides = [1, 1]} : vector<388x388xf32> to vector<384x384xf32>
      %slice3A_110 = vector.extract_strided_slice %concatenate3A_103 {offsets = [1, 1], sizes = [384, 384], strides = [1, 1]} : vector<388x388xf32> to vector<384x384xf32>
      %slice3A_111 = vector.extract_strided_slice %concatenate3A_103 {offsets = [1, 2], sizes = [384, 384], strides = [1, 1]} : vector<388x388xf32> to vector<384x384xf32>
      %slice3A_112 = vector.extract_strided_slice %concatenate3A_103 {offsets = [1, 3], sizes = [384, 384], strides = [1, 1]} : vector<388x388xf32> to vector<384x384xf32>
      %slice3A_113 = vector.extract_strided_slice %concatenate3A_103 {offsets = [1, 4], sizes = [384, 384], strides = [1, 1]} : vector<388x388xf32> to vector<384x384xf32>
      %slice3A_114 = vector.extract_strided_slice %concatenate3A_103 {offsets = [2, 0], sizes = [384, 384], strides = [1, 1]} : vector<388x388xf32> to vector<384x384xf32>
      %slice3A_115 = vector.extract_strided_slice %concatenate3A_103 {offsets = [2, 1], sizes = [384, 384], strides = [1, 1]} : vector<388x388xf32> to vector<384x384xf32>
      %slice3A_116 = vector.extract_strided_slice %concatenate3A_103 {offsets = [2, 2], sizes = [384, 384], strides = [1, 1]} : vector<388x388xf32> to vector<384x384xf32>
      %slice3A_117 = vector.extract_strided_slice %concatenate3A_103 {offsets = [2, 3], sizes = [384, 384], strides = [1, 1]} : vector<388x388xf32> to vector<384x384xf32>
      %slice3A_118 = vector.extract_strided_slice %concatenate3A_103 {offsets = [2, 4], sizes = [384, 384], strides = [1, 1]} : vector<388x388xf32> to vector<384x384xf32>
      %slice3A_119 = vector.extract_strided_slice %concatenate3A_103 {offsets = [3, 0], sizes = [384, 384], strides = [1, 1]} : vector<388x388xf32> to vector<384x384xf32>
      %slice3A_120 = vector.extract_strided_slice %concatenate3A_103 {offsets = [3, 1], sizes = [384, 384], strides = [1, 1]} : vector<388x388xf32> to vector<384x384xf32>
      %slice3A_121 = vector.extract_strided_slice %concatenate3A_103 {offsets = [3, 2], sizes = [384, 384], strides = [1, 1]} : vector<388x388xf32> to vector<384x384xf32>
      %slice3A_122 = vector.extract_strided_slice %concatenate3A_103 {offsets = [3, 3], sizes = [384, 384], strides = [1, 1]} : vector<388x388xf32> to vector<384x384xf32>
      %slice3A_123 = vector.extract_strided_slice %concatenate3A_103 {offsets = [3, 4], sizes = [384, 384], strides = [1, 1]} : vector<388x388xf32> to vector<384x384xf32>
      %slice3A_124 = vector.extract_strided_slice %concatenate3A_103 {offsets = [4, 0], sizes = [384, 384], strides = [1, 1]} : vector<388x388xf32> to vector<384x384xf32>
      %slice3A_125 = vector.extract_strided_slice %concatenate3A_103 {offsets = [4, 1], sizes = [384, 384], strides = [1, 1]} : vector<388x388xf32> to vector<384x384xf32>
      %slice3A_126 = vector.extract_strided_slice %concatenate3A_103 {offsets = [4, 2], sizes = [384, 384], strides = [1, 1]} : vector<388x388xf32> to vector<384x384xf32>
      %slice3A_127 = vector.extract_strided_slice %concatenate3A_103 {offsets = [4, 3], sizes = [384, 384], strides = [1, 1]} : vector<388x388xf32> to vector<384x384xf32>
      %slice3A_128 = vector.extract_strided_slice %concatenate3A_103 {offsets = [4, 4], sizes = [384, 384], strides = [1, 1]} : vector<388x388xf32> to vector<384x384xf32>
      %min3A = arith.minimumf %slice3A_104, %slice3A_105 : vector<384x384xf32>
      %max3A = arith.maximumf %slice3A_104, %slice3A_105 : vector<384x384xf32>
      %min3A_129 = arith.minimumf %max3A, %slice3A_106 : vector<384x384xf32>
      %max3A_130 = arith.maximumf %max3A, %slice3A_106 : vector<384x384xf32>
      %min3A_131 = arith.minimumf %max3A_130, %slice3A_107 : vector<384x384xf32>
      %max3A_132 = arith.maximumf %max3A_130, %slice3A_107 : vector<384x384xf32>
      %min3A_133 = arith.minimumf %max3A_132, %slice3A_108 : vector<384x384xf32>
      %max3A_134 = arith.maximumf %max3A_132, %slice3A_108 : vector<384x384xf32>
      %min3A_135 = arith.minimumf %max3A_134, %slice3A_109 : vector<384x384xf32>
      %max3A_136 = arith.maximumf %max3A_134, %slice3A_109 : vector<384x384xf32>
      %min3A_137 = arith.minimumf %max3A_136, %slice3A_110 : vector<384x384xf32>
      %max3A_138 = arith.maximumf %max3A_136, %slice3A_110 : vector<384x384xf32>
      %min3A_139 = arith.minimumf %max3A_138, %slice3A_111 : vector<384x384xf32>
      %max3A_140 = arith.maximumf %max3A_138, %slice3A_111 : vector<384x384xf32>
      %min3A_141 = arith.minimumf %max3A_140, %slice3A_112 : vector<384x384xf32>
      %max3A_142 = arith.maximumf %max3A_140, %slice3A_112 : vector<384x384xf32>
      %min3A_143 = arith.minimumf %max3A_142, %slice3A_113 : vector<384x384xf32>
      %max3A_144 = arith.maximumf %max3A_142, %slice3A_113 : vector<384x384xf32>
      %min3A_145 = arith.minimumf %max3A_144, %slice3A_114 : vector<384x384xf32>
      %max3A_146 = arith.maximumf %max3A_144, %slice3A_114 : vector<384x384xf32>
      %min3A_147 = arith.minimumf %max3A_146, %slice3A_115 : vector<384x384xf32>
      %max3A_148 = arith.maximumf %max3A_146, %slice3A_115 : vector<384x384xf32>
      %min3A_149 = arith.minimumf %max3A_148, %slice3A_116 : vector<384x384xf32>
      %max3A_150 = arith.maximumf %max3A_148, %slice3A_116 : vector<384x384xf32>
      %min3A_151 = arith.minimumf %max3A_150, %slice3A_117 : vector<384x384xf32>
      %min3A_152 = arith.minimumf %min3A_149, %min3A_151 : vector<384x384xf32>
      %max3A_153 = arith.maximumf %min3A_149, %min3A_151 : vector<384x384xf32>
      %min3A_154 = arith.minimumf %min3A_147, %min3A_152 : vector<384x384xf32>
      %max3A_155 = arith.maximumf %min3A_147, %min3A_152 : vector<384x384xf32>
      %min3A_156 = arith.minimumf %min3A_145, %min3A_154 : vector<384x384xf32>
      %max3A_157 = arith.maximumf %min3A_145, %min3A_154 : vector<384x384xf32>
      %min3A_158 = arith.minimumf %min3A_143, %min3A_156 : vector<384x384xf32>
      %max3A_159 = arith.maximumf %min3A_143, %min3A_156 : vector<384x384xf32>
      %min3A_160 = arith.minimumf %min3A_141, %min3A_158 : vector<384x384xf32>
      %max3A_161 = arith.maximumf %min3A_141, %min3A_158 : vector<384x384xf32>
      %min3A_162 = arith.minimumf %min3A_139, %min3A_160 : vector<384x384xf32>
      %max3A_163 = arith.maximumf %min3A_139, %min3A_160 : vector<384x384xf32>
      %min3A_164 = arith.minimumf %min3A_137, %min3A_162 : vector<384x384xf32>
      %max3A_165 = arith.maximumf %min3A_137, %min3A_162 : vector<384x384xf32>
      %min3A_166 = arith.minimumf %min3A_135, %min3A_164 : vector<384x384xf32>
      %max3A_167 = arith.maximumf %min3A_135, %min3A_164 : vector<384x384xf32>
      %min3A_168 = arith.minimumf %min3A_133, %min3A_166 : vector<384x384xf32>
      %max3A_169 = arith.maximumf %min3A_133, %min3A_166 : vector<384x384xf32>
      %min3A_170 = arith.minimumf %min3A_131, %min3A_168 : vector<384x384xf32>
      %max3A_171 = arith.maximumf %min3A_131, %min3A_168 : vector<384x384xf32>
      %min3A_172 = arith.minimumf %min3A_129, %min3A_170 : vector<384x384xf32>
      %max3A_173 = arith.maximumf %min3A_129, %min3A_170 : vector<384x384xf32>
      %max3A_174 = arith.maximumf %min3A, %min3A_172 : vector<384x384xf32>
      %min3A_175 = arith.minimumf %max3A_174, %max3A_173 : vector<384x384xf32>
      %max3A_176 = arith.maximumf %max3A_174, %max3A_173 : vector<384x384xf32>
      %min3A_177 = arith.minimumf %max3A_176, %max3A_171 : vector<384x384xf32>
      %max3A_178 = arith.maximumf %max3A_176, %max3A_171 : vector<384x384xf32>
      %min3A_179 = arith.minimumf %max3A_178, %max3A_169 : vector<384x384xf32>
      %max3A_180 = arith.maximumf %max3A_178, %max3A_169 : vector<384x384xf32>
      %min3A_181 = arith.minimumf %max3A_180, %max3A_167 : vector<384x384xf32>
      %max3A_182 = arith.maximumf %max3A_180, %max3A_167 : vector<384x384xf32>
      %min3A_183 = arith.minimumf %max3A_182, %max3A_165 : vector<384x384xf32>
      %max3A_184 = arith.maximumf %max3A_182, %max3A_165 : vector<384x384xf32>
      %min3A_185 = arith.minimumf %max3A_184, %max3A_163 : vector<384x384xf32>
      %max3A_186 = arith.maximumf %max3A_184, %max3A_163 : vector<384x384xf32>
      %min3A_187 = arith.minimumf %max3A_186, %max3A_161 : vector<384x384xf32>
      %max3A_188 = arith.maximumf %max3A_186, %max3A_161 : vector<384x384xf32>
      %min3A_189 = arith.minimumf %max3A_188, %max3A_159 : vector<384x384xf32>
      %max3A_190 = arith.maximumf %max3A_188, %max3A_159 : vector<384x384xf32>
      %min3A_191 = arith.minimumf %max3A_190, %max3A_157 : vector<384x384xf32>
      %max3A_192 = arith.maximumf %max3A_190, %max3A_157 : vector<384x384xf32>
      %min3A_193 = arith.minimumf %max3A_192, %max3A_155 : vector<384x384xf32>
      %max3A_194 = arith.maximumf %max3A_192, %max3A_155 : vector<384x384xf32>
      %min3A_195 = arith.minimumf %max3A_194, %max3A_153 : vector<384x384xf32>
      %max3A_196 = arith.maximumf %max3A_194, %max3A_153 : vector<384x384xf32>
      %min3A_197 = arith.minimumf %max3A_196, %slice3A_118 : vector<384x384xf32>
      %min3A_198 = arith.minimumf %min3A_195, %min3A_197 : vector<384x384xf32>
      %max3A_199 = arith.maximumf %min3A_195, %min3A_197 : vector<384x384xf32>
      %min3A_200 = arith.minimumf %min3A_193, %min3A_198 : vector<384x384xf32>
      %max3A_201 = arith.maximumf %min3A_193, %min3A_198 : vector<384x384xf32>
      %min3A_202 = arith.minimumf %min3A_191, %min3A_200 : vector<384x384xf32>
      %max3A_203 = arith.maximumf %min3A_191, %min3A_200 : vector<384x384xf32>
      %min3A_204 = arith.minimumf %min3A_189, %min3A_202 : vector<384x384xf32>
      %max3A_205 = arith.maximumf %min3A_189, %min3A_202 : vector<384x384xf32>
      %min3A_206 = arith.minimumf %min3A_187, %min3A_204 : vector<384x384xf32>
      %max3A_207 = arith.maximumf %min3A_187, %min3A_204 : vector<384x384xf32>
      %min3A_208 = arith.minimumf %min3A_185, %min3A_206 : vector<384x384xf32>
      %max3A_209 = arith.maximumf %min3A_185, %min3A_206 : vector<384x384xf32>
      %min3A_210 = arith.minimumf %min3A_183, %min3A_208 : vector<384x384xf32>
      %max3A_211 = arith.maximumf %min3A_183, %min3A_208 : vector<384x384xf32>
      %min3A_212 = arith.minimumf %min3A_181, %min3A_210 : vector<384x384xf32>
      %max3A_213 = arith.maximumf %min3A_181, %min3A_210 : vector<384x384xf32>
      %min3A_214 = arith.minimumf %min3A_179, %min3A_212 : vector<384x384xf32>
      %max3A_215 = arith.maximumf %min3A_179, %min3A_212 : vector<384x384xf32>
      %min3A_216 = arith.minimumf %min3A_177, %min3A_214 : vector<384x384xf32>
      %max3A_217 = arith.maximumf %min3A_177, %min3A_214 : vector<384x384xf32>
      %max3A_218 = arith.maximumf %min3A_175, %min3A_216 : vector<384x384xf32>
      %min3A_219 = arith.minimumf %max3A_218, %max3A_217 : vector<384x384xf32>
      %max3A_220 = arith.maximumf %max3A_218, %max3A_217 : vector<384x384xf32>
      %min3A_221 = arith.minimumf %max3A_220, %max3A_215 : vector<384x384xf32>
      %max3A_222 = arith.maximumf %max3A_220, %max3A_215 : vector<384x384xf32>
      %min3A_223 = arith.minimumf %max3A_222, %max3A_213 : vector<384x384xf32>
      %max3A_224 = arith.maximumf %max3A_222, %max3A_213 : vector<384x384xf32>
      %min3A_225 = arith.minimumf %max3A_224, %max3A_211 : vector<384x384xf32>
      %max3A_226 = arith.maximumf %max3A_224, %max3A_211 : vector<384x384xf32>
      %min3A_227 = arith.minimumf %max3A_226, %max3A_209 : vector<384x384xf32>
      %max3A_228 = arith.maximumf %max3A_226, %max3A_209 : vector<384x384xf32>
      %min3A_229 = arith.minimumf %max3A_228, %max3A_207 : vector<384x384xf32>
      %max3A_230 = arith.maximumf %max3A_228, %max3A_207 : vector<384x384xf32>
      %min3A_231 = arith.minimumf %max3A_230, %max3A_205 : vector<384x384xf32>
      %max3A_232 = arith.maximumf %max3A_230, %max3A_205 : vector<384x384xf32>
      %min3A_233 = arith.minimumf %max3A_232, %max3A_203 : vector<384x384xf32>
      %max3A_234 = arith.maximumf %max3A_232, %max3A_203 : vector<384x384xf32>
      %min3A_235 = arith.minimumf %max3A_234, %max3A_201 : vector<384x384xf32>
      %max3A_236 = arith.maximumf %max3A_234, %max3A_201 : vector<384x384xf32>
      %min3A_237 = arith.minimumf %max3A_236, %max3A_199 : vector<384x384xf32>
      %max3A_238 = arith.maximumf %max3A_236, %max3A_199 : vector<384x384xf32>
      %min3A_239 = arith.minimumf %max3A_238, %slice3A_119 : vector<384x384xf32>
      %min3A_240 = arith.minimumf %min3A_237, %min3A_239 : vector<384x384xf32>
      %max3A_241 = arith.maximumf %min3A_237, %min3A_239 : vector<384x384xf32>
      %min3A_242 = arith.minimumf %min3A_235, %min3A_240 : vector<384x384xf32>
      %max3A_243 = arith.maximumf %min3A_235, %min3A_240 : vector<384x384xf32>
      %min3A_244 = arith.minimumf %min3A_233, %min3A_242 : vector<384x384xf32>
      %max3A_245 = arith.maximumf %min3A_233, %min3A_242 : vector<384x384xf32>
      %min3A_246 = arith.minimumf %min3A_231, %min3A_244 : vector<384x384xf32>
      %max3A_247 = arith.maximumf %min3A_231, %min3A_244 : vector<384x384xf32>
      %min3A_248 = arith.minimumf %min3A_229, %min3A_246 : vector<384x384xf32>
      %max3A_249 = arith.maximumf %min3A_229, %min3A_246 : vector<384x384xf32>
      %min3A_250 = arith.minimumf %min3A_227, %min3A_248 : vector<384x384xf32>
      %max3A_251 = arith.maximumf %min3A_227, %min3A_248 : vector<384x384xf32>
      %min3A_252 = arith.minimumf %min3A_225, %min3A_250 : vector<384x384xf32>
      %max3A_253 = arith.maximumf %min3A_225, %min3A_250 : vector<384x384xf32>
      %min3A_254 = arith.minimumf %min3A_223, %min3A_252 : vector<384x384xf32>
      %max3A_255 = arith.maximumf %min3A_223, %min3A_252 : vector<384x384xf32>
      %min3A_256 = arith.minimumf %min3A_221, %min3A_254 : vector<384x384xf32>
      %max3A_257 = arith.maximumf %min3A_221, %min3A_254 : vector<384x384xf32>
      %max3A_258 = arith.maximumf %min3A_219, %min3A_256 : vector<384x384xf32>
      %min3A_259 = arith.minimumf %max3A_258, %max3A_257 : vector<384x384xf32>
      %max3A_260 = arith.maximumf %max3A_258, %max3A_257 : vector<384x384xf32>
      %min3A_261 = arith.minimumf %max3A_260, %max3A_255 : vector<384x384xf32>
      %max3A_262 = arith.maximumf %max3A_260, %max3A_255 : vector<384x384xf32>
      %min3A_263 = arith.minimumf %max3A_262, %max3A_253 : vector<384x384xf32>
      %max3A_264 = arith.maximumf %max3A_262, %max3A_253 : vector<384x384xf32>
      %min3A_265 = arith.minimumf %max3A_264, %max3A_251 : vector<384x384xf32>
      %max3A_266 = arith.maximumf %max3A_264, %max3A_251 : vector<384x384xf32>
      %min3A_267 = arith.minimumf %max3A_266, %max3A_249 : vector<384x384xf32>
      %max3A_268 = arith.maximumf %max3A_266, %max3A_249 : vector<384x384xf32>
      %min3A_269 = arith.minimumf %max3A_268, %max3A_247 : vector<384x384xf32>
      %max3A_270 = arith.maximumf %max3A_268, %max3A_247 : vector<384x384xf32>
      %min3A_271 = arith.minimumf %max3A_270, %max3A_245 : vector<384x384xf32>
      %max3A_272 = arith.maximumf %max3A_270, %max3A_245 : vector<384x384xf32>
      %min3A_273 = arith.minimumf %max3A_272, %max3A_243 : vector<384x384xf32>
      %max3A_274 = arith.maximumf %max3A_272, %max3A_243 : vector<384x384xf32>
      %min3A_275 = arith.minimumf %max3A_274, %max3A_241 : vector<384x384xf32>
      %max3A_276 = arith.maximumf %max3A_274, %max3A_241 : vector<384x384xf32>
      %min3A_277 = arith.minimumf %max3A_276, %slice3A_120 : vector<384x384xf32>
      %min3A_278 = arith.minimumf %min3A_275, %min3A_277 : vector<384x384xf32>
      %max3A_279 = arith.maximumf %min3A_275, %min3A_277 : vector<384x384xf32>
      %min3A_280 = arith.minimumf %min3A_273, %min3A_278 : vector<384x384xf32>
      %max3A_281 = arith.maximumf %min3A_273, %min3A_278 : vector<384x384xf32>
      %min3A_282 = arith.minimumf %min3A_271, %min3A_280 : vector<384x384xf32>
      %max3A_283 = arith.maximumf %min3A_271, %min3A_280 : vector<384x384xf32>
      %min3A_284 = arith.minimumf %min3A_269, %min3A_282 : vector<384x384xf32>
      %max3A_285 = arith.maximumf %min3A_269, %min3A_282 : vector<384x384xf32>
      %min3A_286 = arith.minimumf %min3A_267, %min3A_284 : vector<384x384xf32>
      %max3A_287 = arith.maximumf %min3A_267, %min3A_284 : vector<384x384xf32>
      %min3A_288 = arith.minimumf %min3A_265, %min3A_286 : vector<384x384xf32>
      %max3A_289 = arith.maximumf %min3A_265, %min3A_286 : vector<384x384xf32>
      %min3A_290 = arith.minimumf %min3A_263, %min3A_288 : vector<384x384xf32>
      %max3A_291 = arith.maximumf %min3A_263, %min3A_288 : vector<384x384xf32>
      %min3A_292 = arith.minimumf %min3A_261, %min3A_290 : vector<384x384xf32>
      %max3A_293 = arith.maximumf %min3A_261, %min3A_290 : vector<384x384xf32>
      %max3A_294 = arith.maximumf %min3A_259, %min3A_292 : vector<384x384xf32>
      %min3A_295 = arith.minimumf %max3A_294, %max3A_293 : vector<384x384xf32>
      %max3A_296 = arith.maximumf %max3A_294, %max3A_293 : vector<384x384xf32>
      %min3A_297 = arith.minimumf %max3A_296, %max3A_291 : vector<384x384xf32>
      %max3A_298 = arith.maximumf %max3A_296, %max3A_291 : vector<384x384xf32>
      %min3A_299 = arith.minimumf %max3A_298, %max3A_289 : vector<384x384xf32>
      %max3A_300 = arith.maximumf %max3A_298, %max3A_289 : vector<384x384xf32>
      %min3A_301 = arith.minimumf %max3A_300, %max3A_287 : vector<384x384xf32>
      %max3A_302 = arith.maximumf %max3A_300, %max3A_287 : vector<384x384xf32>
      %min3A_303 = arith.minimumf %max3A_302, %max3A_285 : vector<384x384xf32>
      %max3A_304 = arith.maximumf %max3A_302, %max3A_285 : vector<384x384xf32>
      %min3A_305 = arith.minimumf %max3A_304, %max3A_283 : vector<384x384xf32>
      %max3A_306 = arith.maximumf %max3A_304, %max3A_283 : vector<384x384xf32>
      %min3A_307 = arith.minimumf %max3A_306, %max3A_281 : vector<384x384xf32>
      %max3A_308 = arith.maximumf %max3A_306, %max3A_281 : vector<384x384xf32>
      %min3A_309 = arith.minimumf %max3A_308, %max3A_279 : vector<384x384xf32>
      %max3A_310 = arith.maximumf %max3A_308, %max3A_279 : vector<384x384xf32>
      %min3A_311 = arith.minimumf %max3A_310, %slice3A_121 : vector<384x384xf32>
      %min3A_312 = arith.minimumf %min3A_309, %min3A_311 : vector<384x384xf32>
      %max3A_313 = arith.maximumf %min3A_309, %min3A_311 : vector<384x384xf32>
      %min3A_314 = arith.minimumf %min3A_307, %min3A_312 : vector<384x384xf32>
      %max3A_315 = arith.maximumf %min3A_307, %min3A_312 : vector<384x384xf32>
      %min3A_316 = arith.minimumf %min3A_305, %min3A_314 : vector<384x384xf32>
      %max3A_317 = arith.maximumf %min3A_305, %min3A_314 : vector<384x384xf32>
      %min3A_318 = arith.minimumf %min3A_303, %min3A_316 : vector<384x384xf32>
      %max3A_319 = arith.maximumf %min3A_303, %min3A_316 : vector<384x384xf32>
      %min3A_320 = arith.minimumf %min3A_301, %min3A_318 : vector<384x384xf32>
      %max3A_321 = arith.maximumf %min3A_301, %min3A_318 : vector<384x384xf32>
      %min3A_322 = arith.minimumf %min3A_299, %min3A_320 : vector<384x384xf32>
      %max3A_323 = arith.maximumf %min3A_299, %min3A_320 : vector<384x384xf32>
      %min3A_324 = arith.minimumf %min3A_297, %min3A_322 : vector<384x384xf32>
      %max3A_325 = arith.maximumf %min3A_297, %min3A_322 : vector<384x384xf32>
      %max3A_326 = arith.maximumf %min3A_295, %min3A_324 : vector<384x384xf32>
      %min3A_327 = arith.minimumf %max3A_326, %max3A_325 : vector<384x384xf32>
      %max3A_328 = arith.maximumf %max3A_326, %max3A_325 : vector<384x384xf32>
      %min3A_329 = arith.minimumf %max3A_328, %max3A_323 : vector<384x384xf32>
      %max3A_330 = arith.maximumf %max3A_328, %max3A_323 : vector<384x384xf32>
      %min3A_331 = arith.minimumf %max3A_330, %max3A_321 : vector<384x384xf32>
      %max3A_332 = arith.maximumf %max3A_330, %max3A_321 : vector<384x384xf32>
      %min3A_333 = arith.minimumf %max3A_332, %max3A_319 : vector<384x384xf32>
      %max3A_334 = arith.maximumf %max3A_332, %max3A_319 : vector<384x384xf32>
      %min3A_335 = arith.minimumf %max3A_334, %max3A_317 : vector<384x384xf32>
      %max3A_336 = arith.maximumf %max3A_334, %max3A_317 : vector<384x384xf32>
      %min3A_337 = arith.minimumf %max3A_336, %max3A_315 : vector<384x384xf32>
      %max3A_338 = arith.maximumf %max3A_336, %max3A_315 : vector<384x384xf32>
      %min3A_339 = arith.minimumf %max3A_338, %max3A_313 : vector<384x384xf32>
      %max3A_340 = arith.maximumf %max3A_338, %max3A_313 : vector<384x384xf32>
      %min3A_341 = arith.minimumf %max3A_340, %slice3A_122 : vector<384x384xf32>
      %min3A_342 = arith.minimumf %min3A_339, %min3A_341 : vector<384x384xf32>
      %max3A_343 = arith.maximumf %min3A_339, %min3A_341 : vector<384x384xf32>
      %min3A_344 = arith.minimumf %min3A_337, %min3A_342 : vector<384x384xf32>
      %max3A_345 = arith.maximumf %min3A_337, %min3A_342 : vector<384x384xf32>
      %min3A_346 = arith.minimumf %min3A_335, %min3A_344 : vector<384x384xf32>
      %max3A_347 = arith.maximumf %min3A_335, %min3A_344 : vector<384x384xf32>
      %min3A_348 = arith.minimumf %min3A_333, %min3A_346 : vector<384x384xf32>
      %max3A_349 = arith.maximumf %min3A_333, %min3A_346 : vector<384x384xf32>
      %min3A_350 = arith.minimumf %min3A_331, %min3A_348 : vector<384x384xf32>
      %max3A_351 = arith.maximumf %min3A_331, %min3A_348 : vector<384x384xf32>
      %min3A_352 = arith.minimumf %min3A_329, %min3A_350 : vector<384x384xf32>
      %max3A_353 = arith.maximumf %min3A_329, %min3A_350 : vector<384x384xf32>
      %max3A_354 = arith.maximumf %min3A_327, %min3A_352 : vector<384x384xf32>
      %min3A_355 = arith.minimumf %max3A_354, %max3A_353 : vector<384x384xf32>
      %max3A_356 = arith.maximumf %max3A_354, %max3A_353 : vector<384x384xf32>
      %min3A_357 = arith.minimumf %max3A_356, %max3A_351 : vector<384x384xf32>
      %max3A_358 = arith.maximumf %max3A_356, %max3A_351 : vector<384x384xf32>
      %min3A_359 = arith.minimumf %max3A_358, %max3A_349 : vector<384x384xf32>
      %max3A_360 = arith.maximumf %max3A_358, %max3A_349 : vector<384x384xf32>
      %min3A_361 = arith.minimumf %max3A_360, %max3A_347 : vector<384x384xf32>
      %max3A_362 = arith.maximumf %max3A_360, %max3A_347 : vector<384x384xf32>
      %min3A_363 = arith.minimumf %max3A_362, %max3A_345 : vector<384x384xf32>
      %max3A_364 = arith.maximumf %max3A_362, %max3A_345 : vector<384x384xf32>
      %min3A_365 = arith.minimumf %max3A_364, %max3A_343 : vector<384x384xf32>
      %max3A_366 = arith.maximumf %max3A_364, %max3A_343 : vector<384x384xf32>
      %min3A_367 = arith.minimumf %max3A_366, %slice3A_123 : vector<384x384xf32>
      %min3A_368 = arith.minimumf %min3A_365, %min3A_367 : vector<384x384xf32>
      %max3A_369 = arith.maximumf %min3A_365, %min3A_367 : vector<384x384xf32>
      %min3A_370 = arith.minimumf %min3A_363, %min3A_368 : vector<384x384xf32>
      %max3A_371 = arith.maximumf %min3A_363, %min3A_368 : vector<384x384xf32>
      %min3A_372 = arith.minimumf %min3A_361, %min3A_370 : vector<384x384xf32>
      %max3A_373 = arith.maximumf %min3A_361, %min3A_370 : vector<384x384xf32>
      %min3A_374 = arith.minimumf %min3A_359, %min3A_372 : vector<384x384xf32>
      %max3A_375 = arith.maximumf %min3A_359, %min3A_372 : vector<384x384xf32>
      %min3A_376 = arith.minimumf %min3A_357, %min3A_374 : vector<384x384xf32>
      %max3A_377 = arith.maximumf %min3A_357, %min3A_374 : vector<384x384xf32>
      %max3A_378 = arith.maximumf %min3A_355, %min3A_376 : vector<384x384xf32>
      %min3A_379 = arith.minimumf %max3A_378, %max3A_377 : vector<384x384xf32>
      %max3A_380 = arith.maximumf %max3A_378, %max3A_377 : vector<384x384xf32>
      %min3A_381 = arith.minimumf %max3A_380, %max3A_375 : vector<384x384xf32>
      %max3A_382 = arith.maximumf %max3A_380, %max3A_375 : vector<384x384xf32>
      %min3A_383 = arith.minimumf %max3A_382, %max3A_373 : vector<384x384xf32>
      %max3A_384 = arith.maximumf %max3A_382, %max3A_373 : vector<384x384xf32>
      %min3A_385 = arith.minimumf %max3A_384, %max3A_371 : vector<384x384xf32>
      %max3A_386 = arith.maximumf %max3A_384, %max3A_371 : vector<384x384xf32>
      %min3A_387 = arith.minimumf %max3A_386, %max3A_369 : vector<384x384xf32>
      %max3A_388 = arith.maximumf %max3A_386, %max3A_369 : vector<384x384xf32>
      %min3A_389 = arith.minimumf %max3A_388, %slice3A_124 : vector<384x384xf32>
      %min3A_390 = arith.minimumf %min3A_387, %min3A_389 : vector<384x384xf32>
      %max3A_391 = arith.maximumf %min3A_387, %min3A_389 : vector<384x384xf32>
      %min3A_392 = arith.minimumf %min3A_385, %min3A_390 : vector<384x384xf32>
      %max3A_393 = arith.maximumf %min3A_385, %min3A_390 : vector<384x384xf32>
      %min3A_394 = arith.minimumf %min3A_383, %min3A_392 : vector<384x384xf32>
      %max3A_395 = arith.maximumf %min3A_383, %min3A_392 : vector<384x384xf32>
      %min3A_396 = arith.minimumf %min3A_381, %min3A_394 : vector<384x384xf32>
      %max3A_397 = arith.maximumf %min3A_381, %min3A_394 : vector<384x384xf32>
      %max3A_398 = arith.maximumf %min3A_379, %min3A_396 : vector<384x384xf32>
      %min3A_399 = arith.minimumf %max3A_398, %max3A_397 : vector<384x384xf32>
      %max3A_400 = arith.maximumf %max3A_398, %max3A_397 : vector<384x384xf32>
      %min3A_401 = arith.minimumf %max3A_400, %max3A_395 : vector<384x384xf32>
      %max3A_402 = arith.maximumf %max3A_400, %max3A_395 : vector<384x384xf32>
      %min3A_403 = arith.minimumf %max3A_402, %max3A_393 : vector<384x384xf32>
      %max3A_404 = arith.maximumf %max3A_402, %max3A_393 : vector<384x384xf32>
      %min3A_405 = arith.minimumf %max3A_404, %max3A_391 : vector<384x384xf32>
      %max3A_406 = arith.maximumf %max3A_404, %max3A_391 : vector<384x384xf32>
      %min3A_407 = arith.minimumf %max3A_406, %slice3A_125 : vector<384x384xf32>
      %min3A_408 = arith.minimumf %min3A_405, %min3A_407 : vector<384x384xf32>
      %max3A_409 = arith.maximumf %min3A_405, %min3A_407 : vector<384x384xf32>
      %min3A_410 = arith.minimumf %min3A_403, %min3A_408 : vector<384x384xf32>
      %max3A_411 = arith.maximumf %min3A_403, %min3A_408 : vector<384x384xf32>
      %min3A_412 = arith.minimumf %min3A_401, %min3A_410 : vector<384x384xf32>
      %max3A_413 = arith.maximumf %min3A_401, %min3A_410 : vector<384x384xf32>
      %max3A_414 = arith.maximumf %min3A_399, %min3A_412 : vector<384x384xf32>
      %min3A_415 = arith.minimumf %max3A_414, %max3A_413 : vector<384x384xf32>
      %max3A_416 = arith.maximumf %max3A_414, %max3A_413 : vector<384x384xf32>
      %min3A_417 = arith.minimumf %max3A_416, %max3A_411 : vector<384x384xf32>
      %max3A_418 = arith.maximumf %max3A_416, %max3A_411 : vector<384x384xf32>
      %min3A_419 = arith.minimumf %max3A_418, %max3A_409 : vector<384x384xf32>
      %max3A_420 = arith.maximumf %max3A_418, %max3A_409 : vector<384x384xf32>
      %min3A_421 = arith.minimumf %max3A_420, %slice3A_126 : vector<384x384xf32>
      %min3A_422 = arith.minimumf %min3A_419, %min3A_421 : vector<384x384xf32>
      %max3A_423 = arith.maximumf %min3A_419, %min3A_421 : vector<384x384xf32>
      %min3A_424 = arith.minimumf %min3A_417, %min3A_422 : vector<384x384xf32>
      %max3A_425 = arith.maximumf %min3A_417, %min3A_422 : vector<384x384xf32>
      %max3A_426 = arith.maximumf %min3A_415, %min3A_424 : vector<384x384xf32>
      %min3A_427 = arith.minimumf %max3A_426, %max3A_425 : vector<384x384xf32>
      %max3A_428 = arith.maximumf %max3A_426, %max3A_425 : vector<384x384xf32>
      %min3A_429 = arith.minimumf %max3A_428, %max3A_423 : vector<384x384xf32>
      %max3A_430 = arith.maximumf %max3A_428, %max3A_423 : vector<384x384xf32>
      %min3A_431 = arith.minimumf %max3A_430, %slice3A_127 : vector<384x384xf32>
      %min3A_432 = arith.minimumf %min3A_429, %min3A_431 : vector<384x384xf32>
      %max3A_433 = arith.maximumf %min3A_429, %min3A_431 : vector<384x384xf32>
      %max3A_434 = arith.maximumf %min3A_427, %min3A_432 : vector<384x384xf32>
      %min3A_435 = arith.minimumf %max3A_434, %max3A_433 : vector<384x384xf32>
      %max3A_436 = arith.maximumf %max3A_434, %max3A_433 : vector<384x384xf32>
      %min3A_437 = arith.minimumf %max3A_436, %slice3A_128 : vector<384x384xf32>
      %max3A_438 = arith.maximumf %min3A_435, %min3A_437 : vector<384x384xf32>
      %select_n3A = arith.select %le3A_6, %max3A_438, %scan3A_92 : vector<384x384xi1>, vector<384x384xf32>
      %slice3A_439 = vector.extract_strided_slice %scan3A_93 {offsets = [2, 0], sizes = [1, 384], strides = [1, 1]} : vector<384x384xf32> to vector<1x384xf32>
      %slice3A_440 = vector.extract_strided_slice %scan3A_93 {offsets = [1, 0], sizes = [1, 384], strides = [1, 1]} : vector<384x384xf32> to vector<1x384xf32>
      %slice3A_441 = vector.extract_strided_slice %scan3A_93 {offsets = [382, 0], sizes = [1, 384], strides = [1, 1]} : vector<384x384xf32> to vector<1x384xf32>
      %slice3A_442 = vector.extract_strided_slice %scan3A_93 {offsets = [381, 0], sizes = [1, 384], strides = [1, 1]} : vector<384x384xf32> to vector<1x384xf32>
      %concatenate3A_443 = tpu.concatenate %slice3A_439, %slice3A_440, %scan3A_93, %slice3A_441, %slice3A_442 in 0 : vector<1x384xf32>, vector<1x384xf32>, vector<384x384xf32>, vector<1x384xf32>, vector<1x384xf32> -> vector<388x384xf32>
      %slice3A_444 = vector.extract_strided_slice %concatenate3A_443 {offsets = [0, 2], sizes = [388, 1], strides = [1, 1]} : vector<388x384xf32> to vector<388x1xf32>
      %slice3A_445 = vector.extract_strided_slice %concatenate3A_443 {offsets = [0, 1], sizes = [388, 1], strides = [1, 1]} : vector<388x384xf32> to vector<388x1xf32>
      %slice3A_446 = vector.extract_strided_slice %concatenate3A_443 {offsets = [0, 382], sizes = [388, 1], strides = [1, 1]} : vector<388x384xf32> to vector<388x1xf32>
      %slice3A_447 = vector.extract_strided_slice %concatenate3A_443 {offsets = [0, 381], sizes = [388, 1], strides = [1, 1]} : vector<388x384xf32> to vector<388x1xf32>
      %concatenate3A_448 = tpu.concatenate %slice3A_444, %slice3A_445, %concatenate3A_443, %slice3A_446, %slice3A_447 in 1 : vector<388x1xf32>, vector<388x1xf32>, vector<388x384xf32>, vector<388x1xf32>, vector<388x1xf32> -> vector<388x388xf32>
      %slice3A_449 = vector.extract_strided_slice %concatenate3A_448 {offsets = [0, 0], sizes = [384, 384], strides = [1, 1]} : vector<388x388xf32> to vector<384x384xf32>
      %slice3A_450 = vector.extract_strided_slice %concatenate3A_448 {offsets = [0, 1], sizes = [384, 384], strides = [1, 1]} : vector<388x388xf32> to vector<384x384xf32>
      %slice3A_451 = vector.extract_strided_slice %concatenate3A_448 {offsets = [0, 2], sizes = [384, 384], strides = [1, 1]} : vector<388x388xf32> to vector<384x384xf32>
      %slice3A_452 = vector.extract_strided_slice %concatenate3A_448 {offsets = [0, 3], sizes = [384, 384], strides = [1, 1]} : vector<388x388xf32> to vector<384x384xf32>
      %slice3A_453 = vector.extract_strided_slice %concatenate3A_448 {offsets = [0, 4], sizes = [384, 384], strides = [1, 1]} : vector<388x388xf32> to vector<384x384xf32>
      %slice3A_454 = vector.extract_strided_slice %concatenate3A_448 {offsets = [1, 0], sizes = [384, 384], strides = [1, 1]} : vector<388x388xf32> to vector<384x384xf32>
      %slice3A_455 = vector.extract_strided_slice %concatenate3A_448 {offsets = [1, 1], sizes = [384, 384], strides = [1, 1]} : vector<388x388xf32> to vector<384x384xf32>
      %slice3A_456 = vector.extract_strided_slice %concatenate3A_448 {offsets = [1, 2], sizes = [384, 384], strides = [1, 1]} : vector<388x388xf32> to vector<384x384xf32>
      %slice3A_457 = vector.extract_strided_slice %concatenate3A_448 {offsets = [1, 3], sizes = [384, 384], strides = [1, 1]} : vector<388x388xf32> to vector<384x384xf32>
      %slice3A_458 = vector.extract_strided_slice %concatenate3A_448 {offsets = [1, 4], sizes = [384, 384], strides = [1, 1]} : vector<388x388xf32> to vector<384x384xf32>
      %slice3A_459 = vector.extract_strided_slice %concatenate3A_448 {offsets = [2, 0], sizes = [384, 384], strides = [1, 1]} : vector<388x388xf32> to vector<384x384xf32>
      %slice3A_460 = vector.extract_strided_slice %concatenate3A_448 {offsets = [2, 1], sizes = [384, 384], strides = [1, 1]} : vector<388x388xf32> to vector<384x384xf32>
      %slice3A_461 = vector.extract_strided_slice %concatenate3A_448 {offsets = [2, 2], sizes = [384, 384], strides = [1, 1]} : vector<388x388xf32> to vector<384x384xf32>
      %slice3A_462 = vector.extract_strided_slice %concatenate3A_448 {offsets = [2, 3], sizes = [384, 384], strides = [1, 1]} : vector<388x388xf32> to vector<384x384xf32>
      %slice3A_463 = vector.extract_strided_slice %concatenate3A_448 {offsets = [2, 4], sizes = [384, 384], strides = [1, 1]} : vector<388x388xf32> to vector<384x384xf32>
      %slice3A_464 = vector.extract_strided_slice %concatenate3A_448 {offsets = [3, 0], sizes = [384, 384], strides = [1, 1]} : vector<388x388xf32> to vector<384x384xf32>
      %slice3A_465 = vector.extract_strided_slice %concatenate3A_448 {offsets = [3, 1], sizes = [384, 384], strides = [1, 1]} : vector<388x388xf32> to vector<384x384xf32>
      %slice3A_466 = vector.extract_strided_slice %concatenate3A_448 {offsets = [3, 2], sizes = [384, 384], strides = [1, 1]} : vector<388x388xf32> to vector<384x384xf32>
      %slice3A_467 = vector.extract_strided_slice %concatenate3A_448 {offsets = [3, 3], sizes = [384, 384], strides = [1, 1]} : vector<388x388xf32> to vector<384x384xf32>
      %slice3A_468 = vector.extract_strided_slice %concatenate3A_448 {offsets = [3, 4], sizes = [384, 384], strides = [1, 1]} : vector<388x388xf32> to vector<384x384xf32>
      %slice3A_469 = vector.extract_strided_slice %concatenate3A_448 {offsets = [4, 0], sizes = [384, 384], strides = [1, 1]} : vector<388x388xf32> to vector<384x384xf32>
      %slice3A_470 = vector.extract_strided_slice %concatenate3A_448 {offsets = [4, 1], sizes = [384, 384], strides = [1, 1]} : vector<388x388xf32> to vector<384x384xf32>
      %slice3A_471 = vector.extract_strided_slice %concatenate3A_448 {offsets = [4, 2], sizes = [384, 384], strides = [1, 1]} : vector<388x388xf32> to vector<384x384xf32>
      %slice3A_472 = vector.extract_strided_slice %concatenate3A_448 {offsets = [4, 3], sizes = [384, 384], strides = [1, 1]} : vector<388x388xf32> to vector<384x384xf32>
      %slice3A_473 = vector.extract_strided_slice %concatenate3A_448 {offsets = [4, 4], sizes = [384, 384], strides = [1, 1]} : vector<388x388xf32> to vector<384x384xf32>
      %min3A_474 = arith.minimumf %slice3A_449, %slice3A_450 : vector<384x384xf32>
      %max3A_475 = arith.maximumf %slice3A_449, %slice3A_450 : vector<384x384xf32>
      %min3A_476 = arith.minimumf %max3A_475, %slice3A_451 : vector<384x384xf32>
      %max3A_477 = arith.maximumf %max3A_475, %slice3A_451 : vector<384x384xf32>
      %min3A_478 = arith.minimumf %max3A_477, %slice3A_452 : vector<384x384xf32>
      %max3A_479 = arith.maximumf %max3A_477, %slice3A_452 : vector<384x384xf32>
      %min3A_480 = arith.minimumf %max3A_479, %slice3A_453 : vector<384x384xf32>
      %max3A_481 = arith.maximumf %max3A_479, %slice3A_453 : vector<384x384xf32>
      %min3A_482 = arith.minimumf %max3A_481, %slice3A_454 : vector<384x384xf32>
      %max3A_483 = arith.maximumf %max3A_481, %slice3A_454 : vector<384x384xf32>
      %min3A_484 = arith.minimumf %max3A_483, %slice3A_455 : vector<384x384xf32>
      %max3A_485 = arith.maximumf %max3A_483, %slice3A_455 : vector<384x384xf32>
      %min3A_486 = arith.minimumf %max3A_485, %slice3A_456 : vector<384x384xf32>
      %max3A_487 = arith.maximumf %max3A_485, %slice3A_456 : vector<384x384xf32>
      %min3A_488 = arith.minimumf %max3A_487, %slice3A_457 : vector<384x384xf32>
      %max3A_489 = arith.maximumf %max3A_487, %slice3A_457 : vector<384x384xf32>
      %min3A_490 = arith.minimumf %max3A_489, %slice3A_458 : vector<384x384xf32>
      %max3A_491 = arith.maximumf %max3A_489, %slice3A_458 : vector<384x384xf32>
      %min3A_492 = arith.minimumf %max3A_491, %slice3A_459 : vector<384x384xf32>
      %max3A_493 = arith.maximumf %max3A_491, %slice3A_459 : vector<384x384xf32>
      %min3A_494 = arith.minimumf %max3A_493, %slice3A_460 : vector<384x384xf32>
      %max3A_495 = arith.maximumf %max3A_493, %slice3A_460 : vector<384x384xf32>
      %min3A_496 = arith.minimumf %max3A_495, %slice3A_461 : vector<384x384xf32>
      %max3A_497 = arith.maximumf %max3A_495, %slice3A_461 : vector<384x384xf32>
      %min3A_498 = arith.minimumf %max3A_497, %slice3A_462 : vector<384x384xf32>
      %min3A_499 = arith.minimumf %min3A_496, %min3A_498 : vector<384x384xf32>
      %max3A_500 = arith.maximumf %min3A_496, %min3A_498 : vector<384x384xf32>
      %min3A_501 = arith.minimumf %min3A_494, %min3A_499 : vector<384x384xf32>
      %max3A_502 = arith.maximumf %min3A_494, %min3A_499 : vector<384x384xf32>
      %min3A_503 = arith.minimumf %min3A_492, %min3A_501 : vector<384x384xf32>
      %max3A_504 = arith.maximumf %min3A_492, %min3A_501 : vector<384x384xf32>
      %min3A_505 = arith.minimumf %min3A_490, %min3A_503 : vector<384x384xf32>
      %max3A_506 = arith.maximumf %min3A_490, %min3A_503 : vector<384x384xf32>
      %min3A_507 = arith.minimumf %min3A_488, %min3A_505 : vector<384x384xf32>
      %max3A_508 = arith.maximumf %min3A_488, %min3A_505 : vector<384x384xf32>
      %min3A_509 = arith.minimumf %min3A_486, %min3A_507 : vector<384x384xf32>
      %max3A_510 = arith.maximumf %min3A_486, %min3A_507 : vector<384x384xf32>
      %min3A_511 = arith.minimumf %min3A_484, %min3A_509 : vector<384x384xf32>
      %max3A_512 = arith.maximumf %min3A_484, %min3A_509 : vector<384x384xf32>
      %min3A_513 = arith.minimumf %min3A_482, %min3A_511 : vector<384x384xf32>
      %max3A_514 = arith.maximumf %min3A_482, %min3A_511 : vector<384x384xf32>
      %min3A_515 = arith.minimumf %min3A_480, %min3A_513 : vector<384x384xf32>
      %max3A_516 = arith.maximumf %min3A_480, %min3A_513 : vector<384x384xf32>
      %min3A_517 = arith.minimumf %min3A_478, %min3A_515 : vector<384x384xf32>
      %max3A_518 = arith.maximumf %min3A_478, %min3A_515 : vector<384x384xf32>
      %min3A_519 = arith.minimumf %min3A_476, %min3A_517 : vector<384x384xf32>
      %max3A_520 = arith.maximumf %min3A_476, %min3A_517 : vector<384x384xf32>
      %max3A_521 = arith.maximumf %min3A_474, %min3A_519 : vector<384x384xf32>
      %min3A_522 = arith.minimumf %max3A_521, %max3A_520 : vector<384x384xf32>
      %max3A_523 = arith.maximumf %max3A_521, %max3A_520 : vector<384x384xf32>
      %min3A_524 = arith.minimumf %max3A_523, %max3A_518 : vector<384x384xf32>
      %max3A_525 = arith.maximumf %max3A_523, %max3A_518 : vector<384x384xf32>
      %min3A_526 = arith.minimumf %max3A_525, %max3A_516 : vector<384x384xf32>
      %max3A_527 = arith.maximumf %max3A_525, %max3A_516 : vector<384x384xf32>
      %min3A_528 = arith.minimumf %max3A_527, %max3A_514 : vector<384x384xf32>
      %max3A_529 = arith.maximumf %max3A_527, %max3A_514 : vector<384x384xf32>
      %min3A_530 = arith.minimumf %max3A_529, %max3A_512 : vector<384x384xf32>
      %max3A_531 = arith.maximumf %max3A_529, %max3A_512 : vector<384x384xf32>
      %min3A_532 = arith.minimumf %max3A_531, %max3A_510 : vector<384x384xf32>
      %max3A_533 = arith.maximumf %max3A_531, %max3A_510 : vector<384x384xf32>
      %min3A_534 = arith.minimumf %max3A_533, %max3A_508 : vector<384x384xf32>
      %max3A_535 = arith.maximumf %max3A_533, %max3A_508 : vector<384x384xf32>
      %min3A_536 = arith.minimumf %max3A_535, %max3A_506 : vector<384x384xf32>
      %max3A_537 = arith.maximumf %max3A_535, %max3A_506 : vector<384x384xf32>
      %min3A_538 = arith.minimumf %max3A_537, %max3A_504 : vector<384x384xf32>
      %max3A_539 = arith.maximumf %max3A_537, %max3A_504 : vector<384x384xf32>
      %min3A_540 = arith.minimumf %max3A_539, %max3A_502 : vector<384x384xf32>
      %max3A_541 = arith.maximumf %max3A_539, %max3A_502 : vector<384x384xf32>
      %min3A_542 = arith.minimumf %max3A_541, %max3A_500 : vector<384x384xf32>
      %max3A_543 = arith.maximumf %max3A_541, %max3A_500 : vector<384x384xf32>
      %min3A_544 = arith.minimumf %max3A_543, %slice3A_463 : vector<384x384xf32>
      %min3A_545 = arith.minimumf %min3A_542, %min3A_544 : vector<384x384xf32>
      %max3A_546 = arith.maximumf %min3A_542, %min3A_544 : vector<384x384xf32>
      %min3A_547 = arith.minimumf %min3A_540, %min3A_545 : vector<384x384xf32>
      %max3A_548 = arith.maximumf %min3A_540, %min3A_545 : vector<384x384xf32>
      %min3A_549 = arith.minimumf %min3A_538, %min3A_547 : vector<384x384xf32>
      %max3A_550 = arith.maximumf %min3A_538, %min3A_547 : vector<384x384xf32>
      %min3A_551 = arith.minimumf %min3A_536, %min3A_549 : vector<384x384xf32>
      %max3A_552 = arith.maximumf %min3A_536, %min3A_549 : vector<384x384xf32>
      %min3A_553 = arith.minimumf %min3A_534, %min3A_551 : vector<384x384xf32>
      %max3A_554 = arith.maximumf %min3A_534, %min3A_551 : vector<384x384xf32>
      %min3A_555 = arith.minimumf %min3A_532, %min3A_553 : vector<384x384xf32>
      %max3A_556 = arith.maximumf %min3A_532, %min3A_553 : vector<384x384xf32>
      %min3A_557 = arith.minimumf %min3A_530, %min3A_555 : vector<384x384xf32>
      %max3A_558 = arith.maximumf %min3A_530, %min3A_555 : vector<384x384xf32>
      %min3A_559 = arith.minimumf %min3A_528, %min3A_557 : vector<384x384xf32>
      %max3A_560 = arith.maximumf %min3A_528, %min3A_557 : vector<384x384xf32>
      %min3A_561 = arith.minimumf %min3A_526, %min3A_559 : vector<384x384xf32>
      %max3A_562 = arith.maximumf %min3A_526, %min3A_559 : vector<384x384xf32>
      %min3A_563 = arith.minimumf %min3A_524, %min3A_561 : vector<384x384xf32>
      %max3A_564 = arith.maximumf %min3A_524, %min3A_561 : vector<384x384xf32>
      %max3A_565 = arith.maximumf %min3A_522, %min3A_563 : vector<384x384xf32>
      %min3A_566 = arith.minimumf %max3A_565, %max3A_564 : vector<384x384xf32>
      %max3A_567 = arith.maximumf %max3A_565, %max3A_564 : vector<384x384xf32>
      %min3A_568 = arith.minimumf %max3A_567, %max3A_562 : vector<384x384xf32>
      %max3A_569 = arith.maximumf %max3A_567, %max3A_562 : vector<384x384xf32>
      %min3A_570 = arith.minimumf %max3A_569, %max3A_560 : vector<384x384xf32>
      %max3A_571 = arith.maximumf %max3A_569, %max3A_560 : vector<384x384xf32>
      %min3A_572 = arith.minimumf %max3A_571, %max3A_558 : vector<384x384xf32>
      %max3A_573 = arith.maximumf %max3A_571, %max3A_558 : vector<384x384xf32>
      %min3A_574 = arith.minimumf %max3A_573, %max3A_556 : vector<384x384xf32>
      %max3A_575 = arith.maximumf %max3A_573, %max3A_556 : vector<384x384xf32>
      %min3A_576 = arith.minimumf %max3A_575, %max3A_554 : vector<384x384xf32>
      %max3A_577 = arith.maximumf %max3A_575, %max3A_554 : vector<384x384xf32>
      %min3A_578 = arith.minimumf %max3A_577, %max3A_552 : vector<384x384xf32>
      %max3A_579 = arith.maximumf %max3A_577, %max3A_552 : vector<384x384xf32>
      %min3A_580 = arith.minimumf %max3A_579, %max3A_550 : vector<384x384xf32>
      %max3A_581 = arith.maximumf %max3A_579, %max3A_550 : vector<384x384xf32>
      %min3A_582 = arith.minimumf %max3A_581, %max3A_548 : vector<384x384xf32>
      %max3A_583 = arith.maximumf %max3A_581, %max3A_548 : vector<384x384xf32>
      %min3A_584 = arith.minimumf %max3A_583, %max3A_546 : vector<384x384xf32>
      %max3A_585 = arith.maximumf %max3A_583, %max3A_546 : vector<384x384xf32>
      %min3A_586 = arith.minimumf %max3A_585, %slice3A_464 : vector<384x384xf32>
      %min3A_587 = arith.minimumf %min3A_584, %min3A_586 : vector<384x384xf32>
      %max3A_588 = arith.maximumf %min3A_584, %min3A_586 : vector<384x384xf32>
      %min3A_589 = arith.minimumf %min3A_582, %min3A_587 : vector<384x384xf32>
      %max3A_590 = arith.maximumf %min3A_582, %min3A_587 : vector<384x384xf32>
      %min3A_591 = arith.minimumf %min3A_580, %min3A_589 : vector<384x384xf32>
      %max3A_592 = arith.maximumf %min3A_580, %min3A_589 : vector<384x384xf32>
      %min3A_593 = arith.minimumf %min3A_578, %min3A_591 : vector<384x384xf32>
      %max3A_594 = arith.maximumf %min3A_578, %min3A_591 : vector<384x384xf32>
      %min3A_595 = arith.minimumf %min3A_576, %min3A_593 : vector<384x384xf32>
      %max3A_596 = arith.maximumf %min3A_576, %min3A_593 : vector<384x384xf32>
      %min3A_597 = arith.minimumf %min3A_574, %min3A_595 : vector<384x384xf32>
      %max3A_598 = arith.maximumf %min3A_574, %min3A_595 : vector<384x384xf32>
      %min3A_599 = arith.minimumf %min3A_572, %min3A_597 : vector<384x384xf32>
      %max3A_600 = arith.maximumf %min3A_572, %min3A_597 : vector<384x384xf32>
      %min3A_601 = arith.minimumf %min3A_570, %min3A_599 : vector<384x384xf32>
      %max3A_602 = arith.maximumf %min3A_570, %min3A_599 : vector<384x384xf32>
      %min3A_603 = arith.minimumf %min3A_568, %min3A_601 : vector<384x384xf32>
      %max3A_604 = arith.maximumf %min3A_568, %min3A_601 : vector<384x384xf32>
      %max3A_605 = arith.maximumf %min3A_566, %min3A_603 : vector<384x384xf32>
      %min3A_606 = arith.minimumf %max3A_605, %max3A_604 : vector<384x384xf32>
      %max3A_607 = arith.maximumf %max3A_605, %max3A_604 : vector<384x384xf32>
      %min3A_608 = arith.minimumf %max3A_607, %max3A_602 : vector<384x384xf32>
      %max3A_609 = arith.maximumf %max3A_607, %max3A_602 : vector<384x384xf32>
      %min3A_610 = arith.minimumf %max3A_609, %max3A_600 : vector<384x384xf32>
      %max3A_611 = arith.maximumf %max3A_609, %max3A_600 : vector<384x384xf32>
      %min3A_612 = arith.minimumf %max3A_611, %max3A_598 : vector<384x384xf32>
      %max3A_613 = arith.maximumf %max3A_611, %max3A_598 : vector<384x384xf32>
      %min3A_614 = arith.minimumf %max3A_613, %max3A_596 : vector<384x384xf32>
      %max3A_615 = arith.maximumf %max3A_613, %max3A_596 : vector<384x384xf32>
      %min3A_616 = arith.minimumf %max3A_615, %max3A_594 : vector<384x384xf32>
      %max3A_617 = arith.maximumf %max3A_615, %max3A_594 : vector<384x384xf32>
      %min3A_618 = arith.minimumf %max3A_617, %max3A_592 : vector<384x384xf32>
      %max3A_619 = arith.maximumf %max3A_617, %max3A_592 : vector<384x384xf32>
      %min3A_620 = arith.minimumf %max3A_619, %max3A_590 : vector<384x384xf32>
      %max3A_621 = arith.maximumf %max3A_619, %max3A_590 : vector<384x384xf32>
      %min3A_622 = arith.minimumf %max3A_621, %max3A_588 : vector<384x384xf32>
      %max3A_623 = arith.maximumf %max3A_621, %max3A_588 : vector<384x384xf32>
      %min3A_624 = arith.minimumf %max3A_623, %slice3A_465 : vector<384x384xf32>
      %min3A_625 = arith.minimumf %min3A_622, %min3A_624 : vector<384x384xf32>
      %max3A_626 = arith.maximumf %min3A_622, %min3A_624 : vector<384x384xf32>
      %min3A_627 = arith.minimumf %min3A_620, %min3A_625 : vector<384x384xf32>
      %max3A_628 = arith.maximumf %min3A_620, %min3A_625 : vector<384x384xf32>
      %min3A_629 = arith.minimumf %min3A_618, %min3A_627 : vector<384x384xf32>
      %max3A_630 = arith.maximumf %min3A_618, %min3A_627 : vector<384x384xf32>
      %min3A_631 = arith.minimumf %min3A_616, %min3A_629 : vector<384x384xf32>
      %max3A_632 = arith.maximumf %min3A_616, %min3A_629 : vector<384x384xf32>
      %min3A_633 = arith.minimumf %min3A_614, %min3A_631 : vector<384x384xf32>
      %max3A_634 = arith.maximumf %min3A_614, %min3A_631 : vector<384x384xf32>
      %min3A_635 = arith.minimumf %min3A_612, %min3A_633 : vector<384x384xf32>
      %max3A_636 = arith.maximumf %min3A_612, %min3A_633 : vector<384x384xf32>
      %min3A_637 = arith.minimumf %min3A_610, %min3A_635 : vector<384x384xf32>
      %max3A_638 = arith.maximumf %min3A_610, %min3A_635 : vector<384x384xf32>
      %min3A_639 = arith.minimumf %min3A_608, %min3A_637 : vector<384x384xf32>
      %max3A_640 = arith.maximumf %min3A_608, %min3A_637 : vector<384x384xf32>
      %max3A_641 = arith.maximumf %min3A_606, %min3A_639 : vector<384x384xf32>
      %min3A_642 = arith.minimumf %max3A_641, %max3A_640 : vector<384x384xf32>
      %max3A_643 = arith.maximumf %max3A_641, %max3A_640 : vector<384x384xf32>
      %min3A_644 = arith.minimumf %max3A_643, %max3A_638 : vector<384x384xf32>
      %max3A_645 = arith.maximumf %max3A_643, %max3A_638 : vector<384x384xf32>
      %min3A_646 = arith.minimumf %max3A_645, %max3A_636 : vector<384x384xf32>
      %max3A_647 = arith.maximumf %max3A_645, %max3A_636 : vector<384x384xf32>
      %min3A_648 = arith.minimumf %max3A_647, %max3A_634 : vector<384x384xf32>
      %max3A_649 = arith.maximumf %max3A_647, %max3A_634 : vector<384x384xf32>
      %min3A_650 = arith.minimumf %max3A_649, %max3A_632 : vector<384x384xf32>
      %max3A_651 = arith.maximumf %max3A_649, %max3A_632 : vector<384x384xf32>
      %min3A_652 = arith.minimumf %max3A_651, %max3A_630 : vector<384x384xf32>
      %max3A_653 = arith.maximumf %max3A_651, %max3A_630 : vector<384x384xf32>
      %min3A_654 = arith.minimumf %max3A_653, %max3A_628 : vector<384x384xf32>
      %max3A_655 = arith.maximumf %max3A_653, %max3A_628 : vector<384x384xf32>
      %min3A_656 = arith.minimumf %max3A_655, %max3A_626 : vector<384x384xf32>
      %max3A_657 = arith.maximumf %max3A_655, %max3A_626 : vector<384x384xf32>
      %min3A_658 = arith.minimumf %max3A_657, %slice3A_466 : vector<384x384xf32>
      %min3A_659 = arith.minimumf %min3A_656, %min3A_658 : vector<384x384xf32>
      %max3A_660 = arith.maximumf %min3A_656, %min3A_658 : vector<384x384xf32>
      %min3A_661 = arith.minimumf %min3A_654, %min3A_659 : vector<384x384xf32>
      %max3A_662 = arith.maximumf %min3A_654, %min3A_659 : vector<384x384xf32>
      %min3A_663 = arith.minimumf %min3A_652, %min3A_661 : vector<384x384xf32>
      %max3A_664 = arith.maximumf %min3A_652, %min3A_661 : vector<384x384xf32>
      %min3A_665 = arith.minimumf %min3A_650, %min3A_663 : vector<384x384xf32>
      %max3A_666 = arith.maximumf %min3A_650, %min3A_663 : vector<384x384xf32>
      %min3A_667 = arith.minimumf %min3A_648, %min3A_665 : vector<384x384xf32>
      %max3A_668 = arith.maximumf %min3A_648, %min3A_665 : vector<384x384xf32>
      %min3A_669 = arith.minimumf %min3A_646, %min3A_667 : vector<384x384xf32>
      %max3A_670 = arith.maximumf %min3A_646, %min3A_667 : vector<384x384xf32>
      %min3A_671 = arith.minimumf %min3A_644, %min3A_669 : vector<384x384xf32>
      %max3A_672 = arith.maximumf %min3A_644, %min3A_669 : vector<384x384xf32>
      %max3A_673 = arith.maximumf %min3A_642, %min3A_671 : vector<384x384xf32>
      %min3A_674 = arith.minimumf %max3A_673, %max3A_672 : vector<384x384xf32>
      %max3A_675 = arith.maximumf %max3A_673, %max3A_672 : vector<384x384xf32>
      %min3A_676 = arith.minimumf %max3A_675, %max3A_670 : vector<384x384xf32>
      %max3A_677 = arith.maximumf %max3A_675, %max3A_670 : vector<384x384xf32>
      %min3A_678 = arith.minimumf %max3A_677, %max3A_668 : vector<384x384xf32>
      %max3A_679 = arith.maximumf %max3A_677, %max3A_668 : vector<384x384xf32>
      %min3A_680 = arith.minimumf %max3A_679, %max3A_666 : vector<384x384xf32>
      %max3A_681 = arith.maximumf %max3A_679, %max3A_666 : vector<384x384xf32>
      %min3A_682 = arith.minimumf %max3A_681, %max3A_664 : vector<384x384xf32>
      %max3A_683 = arith.maximumf %max3A_681, %max3A_664 : vector<384x384xf32>
      %min3A_684 = arith.minimumf %max3A_683, %max3A_662 : vector<384x384xf32>
      %max3A_685 = arith.maximumf %max3A_683, %max3A_662 : vector<384x384xf32>
      %min3A_686 = arith.minimumf %max3A_685, %max3A_660 : vector<384x384xf32>
      %max3A_687 = arith.maximumf %max3A_685, %max3A_660 : vector<384x384xf32>
      %min3A_688 = arith.minimumf %max3A_687, %slice3A_467 : vector<384x384xf32>
      %min3A_689 = arith.minimumf %min3A_686, %min3A_688 : vector<384x384xf32>
      %max3A_690 = arith.maximumf %min3A_686, %min3A_688 : vector<384x384xf32>
      %min3A_691 = arith.minimumf %min3A_684, %min3A_689 : vector<384x384xf32>
      %max3A_692 = arith.maximumf %min3A_684, %min3A_689 : vector<384x384xf32>
      %min3A_693 = arith.minimumf %min3A_682, %min3A_691 : vector<384x384xf32>
      %max3A_694 = arith.maximumf %min3A_682, %min3A_691 : vector<384x384xf32>
      %min3A_695 = arith.minimumf %min3A_680, %min3A_693 : vector<384x384xf32>
      %max3A_696 = arith.maximumf %min3A_680, %min3A_693 : vector<384x384xf32>
      %min3A_697 = arith.minimumf %min3A_678, %min3A_695 : vector<384x384xf32>
      %max3A_698 = arith.maximumf %min3A_678, %min3A_695 : vector<384x384xf32>
      %min3A_699 = arith.minimumf %min3A_676, %min3A_697 : vector<384x384xf32>
      %max3A_700 = arith.maximumf %min3A_676, %min3A_697 : vector<384x384xf32>
      %max3A_701 = arith.maximumf %min3A_674, %min3A_699 : vector<384x384xf32>
      %min3A_702 = arith.minimumf %max3A_701, %max3A_700 : vector<384x384xf32>
      %max3A_703 = arith.maximumf %max3A_701, %max3A_700 : vector<384x384xf32>
      %min3A_704 = arith.minimumf %max3A_703, %max3A_698 : vector<384x384xf32>
      %max3A_705 = arith.maximumf %max3A_703, %max3A_698 : vector<384x384xf32>
      %min3A_706 = arith.minimumf %max3A_705, %max3A_696 : vector<384x384xf32>
      %max3A_707 = arith.maximumf %max3A_705, %max3A_696 : vector<384x384xf32>
      %min3A_708 = arith.minimumf %max3A_707, %max3A_694 : vector<384x384xf32>
      %max3A_709 = arith.maximumf %max3A_707, %max3A_694 : vector<384x384xf32>
      %min3A_710 = arith.minimumf %max3A_709, %max3A_692 : vector<384x384xf32>
      %max3A_711 = arith.maximumf %max3A_709, %max3A_692 : vector<384x384xf32>
      %min3A_712 = arith.minimumf %max3A_711, %max3A_690 : vector<384x384xf32>
      %max3A_713 = arith.maximumf %max3A_711, %max3A_690 : vector<384x384xf32>
      %min3A_714 = arith.minimumf %max3A_713, %slice3A_468 : vector<384x384xf32>
      %min3A_715 = arith.minimumf %min3A_712, %min3A_714 : vector<384x384xf32>
      %max3A_716 = arith.maximumf %min3A_712, %min3A_714 : vector<384x384xf32>
      %min3A_717 = arith.minimumf %min3A_710, %min3A_715 : vector<384x384xf32>
      %max3A_718 = arith.maximumf %min3A_710, %min3A_715 : vector<384x384xf32>
      %min3A_719 = arith.minimumf %min3A_708, %min3A_717 : vector<384x384xf32>
      %max3A_720 = arith.maximumf %min3A_708, %min3A_717 : vector<384x384xf32>
      %min3A_721 = arith.minimumf %min3A_706, %min3A_719 : vector<384x384xf32>
      %max3A_722 = arith.maximumf %min3A_706, %min3A_719 : vector<384x384xf32>
      %min3A_723 = arith.minimumf %min3A_704, %min3A_721 : vector<384x384xf32>
      %max3A_724 = arith.maximumf %min3A_704, %min3A_721 : vector<384x384xf32>
      %max3A_725 = arith.maximumf %min3A_702, %min3A_723 : vector<384x384xf32>
      %min3A_726 = arith.minimumf %max3A_725, %max3A_724 : vector<384x384xf32>
      %max3A_727 = arith.maximumf %max3A_725, %max3A_724 : vector<384x384xf32>
      %min3A_728 = arith.minimumf %max3A_727, %max3A_722 : vector<384x384xf32>
      %max3A_729 = arith.maximumf %max3A_727, %max3A_722 : vector<384x384xf32>
      %min3A_730 = arith.minimumf %max3A_729, %max3A_720 : vector<384x384xf32>
      %max3A_731 = arith.maximumf %max3A_729, %max3A_720 : vector<384x384xf32>
      %min3A_732 = arith.minimumf %max3A_731, %max3A_718 : vector<384x384xf32>
      %max3A_733 = arith.maximumf %max3A_731, %max3A_718 : vector<384x384xf32>
      %min3A_734 = arith.minimumf %max3A_733, %max3A_716 : vector<384x384xf32>
      %max3A_735 = arith.maximumf %max3A_733, %max3A_716 : vector<384x384xf32>
      %min3A_736 = arith.minimumf %max3A_735, %slice3A_469 : vector<384x384xf32>
      %min3A_737 = arith.minimumf %min3A_734, %min3A_736 : vector<384x384xf32>
      %max3A_738 = arith.maximumf %min3A_734, %min3A_736 : vector<384x384xf32>
      %min3A_739 = arith.minimumf %min3A_732, %min3A_737 : vector<384x384xf32>
      %max3A_740 = arith.maximumf %min3A_732, %min3A_737 : vector<384x384xf32>
      %min3A_741 = arith.minimumf %min3A_730, %min3A_739 : vector<384x384xf32>
      %max3A_742 = arith.maximumf %min3A_730, %min3A_739 : vector<384x384xf32>
      %min3A_743 = arith.minimumf %min3A_728, %min3A_741 : vector<384x384xf32>
      %max3A_744 = arith.maximumf %min3A_728, %min3A_741 : vector<384x384xf32>
      %max3A_745 = arith.maximumf %min3A_726, %min3A_743 : vector<384x384xf32>
      %min3A_746 = arith.minimumf %max3A_745, %max3A_744 : vector<384x384xf32>
      %max3A_747 = arith.maximumf %max3A_745, %max3A_744 : vector<384x384xf32>
      %min3A_748 = arith.minimumf %max3A_747, %max3A_742 : vector<384x384xf32>
      %max3A_749 = arith.maximumf %max3A_747, %max3A_742 : vector<384x384xf32>
      %min3A_750 = arith.minimumf %max3A_749, %max3A_740 : vector<384x384xf32>
      %max3A_751 = arith.maximumf %max3A_749, %max3A_740 : vector<384x384xf32>
      %min3A_752 = arith.minimumf %max3A_751, %max3A_738 : vector<384x384xf32>
      %max3A_753 = arith.maximumf %max3A_751, %max3A_738 : vector<384x384xf32>
      %min3A_754 = arith.minimumf %max3A_753, %slice3A_470 : vector<384x384xf32>
      %min3A_755 = arith.minimumf %min3A_752, %min3A_754 : vector<384x384xf32>
      %max3A_756 = arith.maximumf %min3A_752, %min3A_754 : vector<384x384xf32>
      %min3A_757 = arith.minimumf %min3A_750, %min3A_755 : vector<384x384xf32>
      %max3A_758 = arith.maximumf %min3A_750, %min3A_755 : vector<384x384xf32>
      %min3A_759 = arith.minimumf %min3A_748, %min3A_757 : vector<384x384xf32>
      %max3A_760 = arith.maximumf %min3A_748, %min3A_757 : vector<384x384xf32>
      %max3A_761 = arith.maximumf %min3A_746, %min3A_759 : vector<384x384xf32>
      %min3A_762 = arith.minimumf %max3A_761, %max3A_760 : vector<384x384xf32>
      %max3A_763 = arith.maximumf %max3A_761, %max3A_760 : vector<384x384xf32>
      %min3A_764 = arith.minimumf %max3A_763, %max3A_758 : vector<384x384xf32>
      %max3A_765 = arith.maximumf %max3A_763, %max3A_758 : vector<384x384xf32>
      %min3A_766 = arith.minimumf %max3A_765, %max3A_756 : vector<384x384xf32>
      %max3A_767 = arith.maximumf %max3A_765, %max3A_756 : vector<384x384xf32>
      %min3A_768 = arith.minimumf %max3A_767, %slice3A_471 : vector<384x384xf32>
      %min3A_769 = arith.minimumf %min3A_766, %min3A_768 : vector<384x384xf32>
      %max3A_770 = arith.maximumf %min3A_766, %min3A_768 : vector<384x384xf32>
      %min3A_771 = arith.minimumf %min3A_764, %min3A_769 : vector<384x384xf32>
      %max3A_772 = arith.maximumf %min3A_764, %min3A_769 : vector<384x384xf32>
      %max3A_773 = arith.maximumf %min3A_762, %min3A_771 : vector<384x384xf32>
      %min3A_774 = arith.minimumf %max3A_773, %max3A_772 : vector<384x384xf32>
      %max3A_775 = arith.maximumf %max3A_773, %max3A_772 : vector<384x384xf32>
      %min3A_776 = arith.minimumf %max3A_775, %max3A_770 : vector<384x384xf32>
      %max3A_777 = arith.maximumf %max3A_775, %max3A_770 : vector<384x384xf32>
      %min3A_778 = arith.minimumf %max3A_777, %slice3A_472 : vector<384x384xf32>
      %min3A_779 = arith.minimumf %min3A_776, %min3A_778 : vector<384x384xf32>
      %max3A_780 = arith.maximumf %min3A_776, %min3A_778 : vector<384x384xf32>
      %max3A_781 = arith.maximumf %min3A_774, %min3A_779 : vector<384x384xf32>
      %min3A_782 = arith.minimumf %max3A_781, %max3A_780 : vector<384x384xf32>
      %max3A_783 = arith.maximumf %max3A_781, %max3A_780 : vector<384x384xf32>
      %min3A_784 = arith.minimumf %max3A_783, %slice3A_473 : vector<384x384xf32>
      %max3A_785 = arith.maximumf %min3A_782, %min3A_784 : vector<384x384xf32>
      %select_n3A_786 = arith.select %le3A_6, %max3A_785, %scan3A_93 : vector<384x384xi1>, vector<384x384xf32>
      %slice3A_787 = vector.extract_strided_slice %scan3A_94 {offsets = [2, 0], sizes = [1, 384], strides = [1, 1]} : vector<384x384xf32> to vector<1x384xf32>
      %slice3A_788 = vector.extract_strided_slice %scan3A_94 {offsets = [1, 0], sizes = [1, 384], strides = [1, 1]} : vector<384x384xf32> to vector<1x384xf32>
      %slice3A_789 = vector.extract_strided_slice %scan3A_94 {offsets = [382, 0], sizes = [1, 384], strides = [1, 1]} : vector<384x384xf32> to vector<1x384xf32>
      %slice3A_790 = vector.extract_strided_slice %scan3A_94 {offsets = [381, 0], sizes = [1, 384], strides = [1, 1]} : vector<384x384xf32> to vector<1x384xf32>
      %concatenate3A_791 = tpu.concatenate %slice3A_787, %slice3A_788, %scan3A_94, %slice3A_789, %slice3A_790 in 0 : vector<1x384xf32>, vector<1x384xf32>, vector<384x384xf32>, vector<1x384xf32>, vector<1x384xf32> -> vector<388x384xf32>
      %slice3A_792 = vector.extract_strided_slice %concatenate3A_791 {offsets = [0, 2], sizes = [388, 1], strides = [1, 1]} : vector<388x384xf32> to vector<388x1xf32>
      %slice3A_793 = vector.extract_strided_slice %concatenate3A_791 {offsets = [0, 1], sizes = [388, 1], strides = [1, 1]} : vector<388x384xf32> to vector<388x1xf32>
      %slice3A_794 = vector.extract_strided_slice %concatenate3A_791 {offsets = [0, 382], sizes = [388, 1], strides = [1, 1]} : vector<388x384xf32> to vector<388x1xf32>
      %slice3A_795 = vector.extract_strided_slice %concatenate3A_791 {offsets = [0, 381], sizes = [388, 1], strides = [1, 1]} : vector<388x384xf32> to vector<388x1xf32>
      %concatenate3A_796 = tpu.concatenate %slice3A_792, %slice3A_793, %concatenate3A_791, %slice3A_794, %slice3A_795 in 1 : vector<388x1xf32>, vector<388x1xf32>, vector<388x384xf32>, vector<388x1xf32>, vector<388x1xf32> -> vector<388x388xf32>
      %slice3A_797 = vector.extract_strided_slice %concatenate3A_796 {offsets = [0, 0], sizes = [384, 384], strides = [1, 1]} : vector<388x388xf32> to vector<384x384xf32>
      %slice3A_798 = vector.extract_strided_slice %concatenate3A_796 {offsets = [0, 1], sizes = [384, 384], strides = [1, 1]} : vector<388x388xf32> to vector<384x384xf32>
      %slice3A_799 = vector.extract_strided_slice %concatenate3A_796 {offsets = [0, 2], sizes = [384, 384], strides = [1, 1]} : vector<388x388xf32> to vector<384x384xf32>
      %slice3A_800 = vector.extract_strided_slice %concatenate3A_796 {offsets = [0, 3], sizes = [384, 384], strides = [1, 1]} : vector<388x388xf32> to vector<384x384xf32>
      %slice3A_801 = vector.extract_strided_slice %concatenate3A_796 {offsets = [0, 4], sizes = [384, 384], strides = [1, 1]} : vector<388x388xf32> to vector<384x384xf32>
      %slice3A_802 = vector.extract_strided_slice %concatenate3A_796 {offsets = [1, 0], sizes = [384, 384], strides = [1, 1]} : vector<388x388xf32> to vector<384x384xf32>
      %slice3A_803 = vector.extract_strided_slice %concatenate3A_796 {offsets = [1, 1], sizes = [384, 384], strides = [1, 1]} : vector<388x388xf32> to vector<384x384xf32>
      %slice3A_804 = vector.extract_strided_slice %concatenate3A_796 {offsets = [1, 2], sizes = [384, 384], strides = [1, 1]} : vector<388x388xf32> to vector<384x384xf32>
      %slice3A_805 = vector.extract_strided_slice %concatenate3A_796 {offsets = [1, 3], sizes = [384, 384], strides = [1, 1]} : vector<388x388xf32> to vector<384x384xf32>
      %slice3A_806 = vector.extract_strided_slice %concatenate3A_796 {offsets = [1, 4], sizes = [384, 384], strides = [1, 1]} : vector<388x388xf32> to vector<384x384xf32>
      %slice3A_807 = vector.extract_strided_slice %concatenate3A_796 {offsets = [2, 0], sizes = [384, 384], strides = [1, 1]} : vector<388x388xf32> to vector<384x384xf32>
      %slice3A_808 = vector.extract_strided_slice %concatenate3A_796 {offsets = [2, 1], sizes = [384, 384], strides = [1, 1]} : vector<388x388xf32> to vector<384x384xf32>
      %slice3A_809 = vector.extract_strided_slice %concatenate3A_796 {offsets = [2, 2], sizes = [384, 384], strides = [1, 1]} : vector<388x388xf32> to vector<384x384xf32>
      %slice3A_810 = vector.extract_strided_slice %concatenate3A_796 {offsets = [2, 3], sizes = [384, 384], strides = [1, 1]} : vector<388x388xf32> to vector<384x384xf32>
      %slice3A_811 = vector.extract_strided_slice %concatenate3A_796 {offsets = [2, 4], sizes = [384, 384], strides = [1, 1]} : vector<388x388xf32> to vector<384x384xf32>
      %slice3A_812 = vector.extract_strided_slice %concatenate3A_796 {offsets = [3, 0], sizes = [384, 384], strides = [1, 1]} : vector<388x388xf32> to vector<384x384xf32>
      %slice3A_813 = vector.extract_strided_slice %concatenate3A_796 {offsets = [3, 1], sizes = [384, 384], strides = [1, 1]} : vector<388x388xf32> to vector<384x384xf32>
      %slice3A_814 = vector.extract_strided_slice %concatenate3A_796 {offsets = [3, 2], sizes = [384, 384], strides = [1, 1]} : vector<388x388xf32> to vector<384x384xf32>
      %slice3A_815 = vector.extract_strided_slice %concatenate3A_796 {offsets = [3, 3], sizes = [384, 384], strides = [1, 1]} : vector<388x388xf32> to vector<384x384xf32>
      %slice3A_816 = vector.extract_strided_slice %concatenate3A_796 {offsets = [3, 4], sizes = [384, 384], strides = [1, 1]} : vector<388x388xf32> to vector<384x384xf32>
      %slice3A_817 = vector.extract_strided_slice %concatenate3A_796 {offsets = [4, 0], sizes = [384, 384], strides = [1, 1]} : vector<388x388xf32> to vector<384x384xf32>
      %slice3A_818 = vector.extract_strided_slice %concatenate3A_796 {offsets = [4, 1], sizes = [384, 384], strides = [1, 1]} : vector<388x388xf32> to vector<384x384xf32>
      %slice3A_819 = vector.extract_strided_slice %concatenate3A_796 {offsets = [4, 2], sizes = [384, 384], strides = [1, 1]} : vector<388x388xf32> to vector<384x384xf32>
      %slice3A_820 = vector.extract_strided_slice %concatenate3A_796 {offsets = [4, 3], sizes = [384, 384], strides = [1, 1]} : vector<388x388xf32> to vector<384x384xf32>
      %slice3A_821 = vector.extract_strided_slice %concatenate3A_796 {offsets = [4, 4], sizes = [384, 384], strides = [1, 1]} : vector<388x388xf32> to vector<384x384xf32>
      %min3A_822 = arith.minimumf %slice3A_797, %slice3A_798 : vector<384x384xf32>
      %max3A_823 = arith.maximumf %slice3A_797, %slice3A_798 : vector<384x384xf32>
      %min3A_824 = arith.minimumf %max3A_823, %slice3A_799 : vector<384x384xf32>
      %max3A_825 = arith.maximumf %max3A_823, %slice3A_799 : vector<384x384xf32>
      %min3A_826 = arith.minimumf %max3A_825, %slice3A_800 : vector<384x384xf32>
      %max3A_827 = arith.maximumf %max3A_825, %slice3A_800 : vector<384x384xf32>
      %min3A_828 = arith.minimumf %max3A_827, %slice3A_801 : vector<384x384xf32>
      %max3A_829 = arith.maximumf %max3A_827, %slice3A_801 : vector<384x384xf32>
      %min3A_830 = arith.minimumf %max3A_829, %slice3A_802 : vector<384x384xf32>
      %max3A_831 = arith.maximumf %max3A_829, %slice3A_802 : vector<384x384xf32>
      %min3A_832 = arith.minimumf %max3A_831, %slice3A_803 : vector<384x384xf32>
      %max3A_833 = arith.maximumf %max3A_831, %slice3A_803 : vector<384x384xf32>
      %min3A_834 = arith.minimumf %max3A_833, %slice3A_804 : vector<384x384xf32>
      %max3A_835 = arith.maximumf %max3A_833, %slice3A_804 : vector<384x384xf32>
      %min3A_836 = arith.minimumf %max3A_835, %slice3A_805 : vector<384x384xf32>
      %max3A_837 = arith.maximumf %max3A_835, %slice3A_805 : vector<384x384xf32>
      %min3A_838 = arith.minimumf %max3A_837, %slice3A_806 : vector<384x384xf32>
      %max3A_839 = arith.maximumf %max3A_837, %slice3A_806 : vector<384x384xf32>
      %min3A_840 = arith.minimumf %max3A_839, %slice3A_807 : vector<384x384xf32>
      %max3A_841 = arith.maximumf %max3A_839, %slice3A_807 : vector<384x384xf32>
      %min3A_842 = arith.minimumf %max3A_841, %slice3A_808 : vector<384x384xf32>
      %max3A_843 = arith.maximumf %max3A_841, %slice3A_808 : vector<384x384xf32>
      %min3A_844 = arith.minimumf %max3A_843, %slice3A_809 : vector<384x384xf32>
      %max3A_845 = arith.maximumf %max3A_843, %slice3A_809 : vector<384x384xf32>
      %min3A_846 = arith.minimumf %max3A_845, %slice3A_810 : vector<384x384xf32>
      %min3A_847 = arith.minimumf %min3A_844, %min3A_846 : vector<384x384xf32>
      %max3A_848 = arith.maximumf %min3A_844, %min3A_846 : vector<384x384xf32>
      %min3A_849 = arith.minimumf %min3A_842, %min3A_847 : vector<384x384xf32>
      %max3A_850 = arith.maximumf %min3A_842, %min3A_847 : vector<384x384xf32>
      %min3A_851 = arith.minimumf %min3A_840, %min3A_849 : vector<384x384xf32>
      %max3A_852 = arith.maximumf %min3A_840, %min3A_849 : vector<384x384xf32>
      %min3A_853 = arith.minimumf %min3A_838, %min3A_851 : vector<384x384xf32>
      %max3A_854 = arith.maximumf %min3A_838, %min3A_851 : vector<384x384xf32>
      %min3A_855 = arith.minimumf %min3A_836, %min3A_853 : vector<384x384xf32>
      %max3A_856 = arith.maximumf %min3A_836, %min3A_853 : vector<384x384xf32>
      %min3A_857 = arith.minimumf %min3A_834, %min3A_855 : vector<384x384xf32>
      %max3A_858 = arith.maximumf %min3A_834, %min3A_855 : vector<384x384xf32>
      %min3A_859 = arith.minimumf %min3A_832, %min3A_857 : vector<384x384xf32>
      %max3A_860 = arith.maximumf %min3A_832, %min3A_857 : vector<384x384xf32>
      %min3A_861 = arith.minimumf %min3A_830, %min3A_859 : vector<384x384xf32>
      %max3A_862 = arith.maximumf %min3A_830, %min3A_859 : vector<384x384xf32>
      %min3A_863 = arith.minimumf %min3A_828, %min3A_861 : vector<384x384xf32>
      %max3A_864 = arith.maximumf %min3A_828, %min3A_861 : vector<384x384xf32>
      %min3A_865 = arith.minimumf %min3A_826, %min3A_863 : vector<384x384xf32>
      %max3A_866 = arith.maximumf %min3A_826, %min3A_863 : vector<384x384xf32>
      %min3A_867 = arith.minimumf %min3A_824, %min3A_865 : vector<384x384xf32>
      %max3A_868 = arith.maximumf %min3A_824, %min3A_865 : vector<384x384xf32>
      %max3A_869 = arith.maximumf %min3A_822, %min3A_867 : vector<384x384xf32>
      %min3A_870 = arith.minimumf %max3A_869, %max3A_868 : vector<384x384xf32>
      %max3A_871 = arith.maximumf %max3A_869, %max3A_868 : vector<384x384xf32>
      %min3A_872 = arith.minimumf %max3A_871, %max3A_866 : vector<384x384xf32>
      %max3A_873 = arith.maximumf %max3A_871, %max3A_866 : vector<384x384xf32>
      %min3A_874 = arith.minimumf %max3A_873, %max3A_864 : vector<384x384xf32>
      %max3A_875 = arith.maximumf %max3A_873, %max3A_864 : vector<384x384xf32>
      %min3A_876 = arith.minimumf %max3A_875, %max3A_862 : vector<384x384xf32>
      %max3A_877 = arith.maximumf %max3A_875, %max3A_862 : vector<384x384xf32>
      %min3A_878 = arith.minimumf %max3A_877, %max3A_860 : vector<384x384xf32>
      %max3A_879 = arith.maximumf %max3A_877, %max3A_860 : vector<384x384xf32>
      %min3A_880 = arith.minimumf %max3A_879, %max3A_858 : vector<384x384xf32>
      %max3A_881 = arith.maximumf %max3A_879, %max3A_858 : vector<384x384xf32>
      %min3A_882 = arith.minimumf %max3A_881, %max3A_856 : vector<384x384xf32>
      %max3A_883 = arith.maximumf %max3A_881, %max3A_856 : vector<384x384xf32>
      %min3A_884 = arith.minimumf %max3A_883, %max3A_854 : vector<384x384xf32>
      %max3A_885 = arith.maximumf %max3A_883, %max3A_854 : vector<384x384xf32>
      %min3A_886 = arith.minimumf %max3A_885, %max3A_852 : vector<384x384xf32>
      %max3A_887 = arith.maximumf %max3A_885, %max3A_852 : vector<384x384xf32>
      %min3A_888 = arith.minimumf %max3A_887, %max3A_850 : vector<384x384xf32>
      %max3A_889 = arith.maximumf %max3A_887, %max3A_850 : vector<384x384xf32>
      %min3A_890 = arith.minimumf %max3A_889, %max3A_848 : vector<384x384xf32>
      %max3A_891 = arith.maximumf %max3A_889, %max3A_848 : vector<384x384xf32>
      %min3A_892 = arith.minimumf %max3A_891, %slice3A_811 : vector<384x384xf32>
      %min3A_893 = arith.minimumf %min3A_890, %min3A_892 : vector<384x384xf32>
      %max3A_894 = arith.maximumf %min3A_890, %min3A_892 : vector<384x384xf32>
      %min3A_895 = arith.minimumf %min3A_888, %min3A_893 : vector<384x384xf32>
      %max3A_896 = arith.maximumf %min3A_888, %min3A_893 : vector<384x384xf32>
      %min3A_897 = arith.minimumf %min3A_886, %min3A_895 : vector<384x384xf32>
      %max3A_898 = arith.maximumf %min3A_886, %min3A_895 : vector<384x384xf32>
      %min3A_899 = arith.minimumf %min3A_884, %min3A_897 : vector<384x384xf32>
      %max3A_900 = arith.maximumf %min3A_884, %min3A_897 : vector<384x384xf32>
      %min3A_901 = arith.minimumf %min3A_882, %min3A_899 : vector<384x384xf32>
      %max3A_902 = arith.maximumf %min3A_882, %min3A_899 : vector<384x384xf32>
      %min3A_903 = arith.minimumf %min3A_880, %min3A_901 : vector<384x384xf32>
      %max3A_904 = arith.maximumf %min3A_880, %min3A_901 : vector<384x384xf32>
      %min3A_905 = arith.minimumf %min3A_878, %min3A_903 : vector<384x384xf32>
      %max3A_906 = arith.maximumf %min3A_878, %min3A_903 : vector<384x384xf32>
      %min3A_907 = arith.minimumf %min3A_876, %min3A_905 : vector<384x384xf32>
      %max3A_908 = arith.maximumf %min3A_876, %min3A_905 : vector<384x384xf32>
      %min3A_909 = arith.minimumf %min3A_874, %min3A_907 : vector<384x384xf32>
      %max3A_910 = arith.maximumf %min3A_874, %min3A_907 : vector<384x384xf32>
      %min3A_911 = arith.minimumf %min3A_872, %min3A_909 : vector<384x384xf32>
      %max3A_912 = arith.maximumf %min3A_872, %min3A_909 : vector<384x384xf32>
      %max3A_913 = arith.maximumf %min3A_870, %min3A_911 : vector<384x384xf32>
      %min3A_914 = arith.minimumf %max3A_913, %max3A_912 : vector<384x384xf32>
      %max3A_915 = arith.maximumf %max3A_913, %max3A_912 : vector<384x384xf32>
      %min3A_916 = arith.minimumf %max3A_915, %max3A_910 : vector<384x384xf32>
      %max3A_917 = arith.maximumf %max3A_915, %max3A_910 : vector<384x384xf32>
      %min3A_918 = arith.minimumf %max3A_917, %max3A_908 : vector<384x384xf32>
      %max3A_919 = arith.maximumf %max3A_917, %max3A_908 : vector<384x384xf32>
      %min3A_920 = arith.minimumf %max3A_919, %max3A_906 : vector<384x384xf32>
      %max3A_921 = arith.maximumf %max3A_919, %max3A_906 : vector<384x384xf32>
      %min3A_922 = arith.minimumf %max3A_921, %max3A_904 : vector<384x384xf32>
      %max3A_923 = arith.maximumf %max3A_921, %max3A_904 : vector<384x384xf32>
      %min3A_924 = arith.minimumf %max3A_923, %max3A_902 : vector<384x384xf32>
      %max3A_925 = arith.maximumf %max3A_923, %max3A_902 : vector<384x384xf32>
      %min3A_926 = arith.minimumf %max3A_925, %max3A_900 : vector<384x384xf32>
      %max3A_927 = arith.maximumf %max3A_925, %max3A_900 : vector<384x384xf32>
      %min3A_928 = arith.minimumf %max3A_927, %max3A_898 : vector<384x384xf32>
      %max3A_929 = arith.maximumf %max3A_927, %max3A_898 : vector<384x384xf32>
      %min3A_930 = arith.minimumf %max3A_929, %max3A_896 : vector<384x384xf32>
      %max3A_931 = arith.maximumf %max3A_929, %max3A_896 : vector<384x384xf32>
      %min3A_932 = arith.minimumf %max3A_931, %max3A_894 : vector<384x384xf32>
      %max3A_933 = arith.maximumf %max3A_931, %max3A_894 : vector<384x384xf32>
      %min3A_934 = arith.minimumf %max3A_933, %slice3A_812 : vector<384x384xf32>
      %min3A_935 = arith.minimumf %min3A_932, %min3A_934 : vector<384x384xf32>
      %max3A_936 = arith.maximumf %min3A_932, %min3A_934 : vector<384x384xf32>
      %min3A_937 = arith.minimumf %min3A_930, %min3A_935 : vector<384x384xf32>
      %max3A_938 = arith.maximumf %min3A_930, %min3A_935 : vector<384x384xf32>
      %min3A_939 = arith.minimumf %min3A_928, %min3A_937 : vector<384x384xf32>
      %max3A_940 = arith.maximumf %min3A_928, %min3A_937 : vector<384x384xf32>
      %min3A_941 = arith.minimumf %min3A_926, %min3A_939 : vector<384x384xf32>
      %max3A_942 = arith.maximumf %min3A_926, %min3A_939 : vector<384x384xf32>
      %min3A_943 = arith.minimumf %min3A_924, %min3A_941 : vector<384x384xf32>
      %max3A_944 = arith.maximumf %min3A_924, %min3A_941 : vector<384x384xf32>
      %min3A_945 = arith.minimumf %min3A_922, %min3A_943 : vector<384x384xf32>
      %max3A_946 = arith.maximumf %min3A_922, %min3A_943 : vector<384x384xf32>
      %min3A_947 = arith.minimumf %min3A_920, %min3A_945 : vector<384x384xf32>
      %max3A_948 = arith.maximumf %min3A_920, %min3A_945 : vector<384x384xf32>
      %min3A_949 = arith.minimumf %min3A_918, %min3A_947 : vector<384x384xf32>
      %max3A_950 = arith.maximumf %min3A_918, %min3A_947 : vector<384x384xf32>
      %min3A_951 = arith.minimumf %min3A_916, %min3A_949 : vector<384x384xf32>
      %max3A_952 = arith.maximumf %min3A_916, %min3A_949 : vector<384x384xf32>
      %max3A_953 = arith.maximumf %min3A_914, %min3A_951 : vector<384x384xf32>
      %min3A_954 = arith.minimumf %max3A_953, %max3A_952 : vector<384x384xf32>
      %max3A_955 = arith.maximumf %max3A_953, %max3A_952 : vector<384x384xf32>
      %min3A_956 = arith.minimumf %max3A_955, %max3A_950 : vector<384x384xf32>
      %max3A_957 = arith.maximumf %max3A_955, %max3A_950 : vector<384x384xf32>
      %min3A_958 = arith.minimumf %max3A_957, %max3A_948 : vector<384x384xf32>
      %max3A_959 = arith.maximumf %max3A_957, %max3A_948 : vector<384x384xf32>
      %min3A_960 = arith.minimumf %max3A_959, %max3A_946 : vector<384x384xf32>
      %max3A_961 = arith.maximumf %max3A_959, %max3A_946 : vector<384x384xf32>
      %min3A_962 = arith.minimumf %max3A_961, %max3A_944 : vector<384x384xf32>
      %max3A_963 = arith.maximumf %max3A_961, %max3A_944 : vector<384x384xf32>
      %min3A_964 = arith.minimumf %max3A_963, %max3A_942 : vector<384x384xf32>
      %max3A_965 = arith.maximumf %max3A_963, %max3A_942 : vector<384x384xf32>
      %min3A_966 = arith.minimumf %max3A_965, %max3A_940 : vector<384x384xf32>
      %max3A_967 = arith.maximumf %max3A_965, %max3A_940 : vector<384x384xf32>
      %min3A_968 = arith.minimumf %max3A_967, %max3A_938 : vector<384x384xf32>
      %max3A_969 = arith.maximumf %max3A_967, %max3A_938 : vector<384x384xf32>
      %min3A_970 = arith.minimumf %max3A_969, %max3A_936 : vector<384x384xf32>
      %max3A_971 = arith.maximumf %max3A_969, %max3A_936 : vector<384x384xf32>
      %min3A_972 = arith.minimumf %max3A_971, %slice3A_813 : vector<384x384xf32>
      %min3A_973 = arith.minimumf %min3A_970, %min3A_972 : vector<384x384xf32>
      %max3A_974 = arith.maximumf %min3A_970, %min3A_972 : vector<384x384xf32>
      %min3A_975 = arith.minimumf %min3A_968, %min3A_973 : vector<384x384xf32>
      %max3A_976 = arith.maximumf %min3A_968, %min3A_973 : vector<384x384xf32>
      %min3A_977 = arith.minimumf %min3A_966, %min3A_975 : vector<384x384xf32>
      %max3A_978 = arith.maximumf %min3A_966, %min3A_975 : vector<384x384xf32>
      %min3A_979 = arith.minimumf %min3A_964, %min3A_977 : vector<384x384xf32>
      %max3A_980 = arith.maximumf %min3A_964, %min3A_977 : vector<384x384xf32>
      %min3A_981 = arith.minimumf %min3A_962, %min3A_979 : vector<384x384xf32>
      %max3A_982 = arith.maximumf %min3A_962, %min3A_979 : vector<384x384xf32>
      %min3A_983 = arith.minimumf %min3A_960, %min3A_981 : vector<384x384xf32>
      %max3A_984 = arith.maximumf %min3A_960, %min3A_981 : vector<384x384xf32>
      %min3A_985 = arith.minimumf %min3A_958, %min3A_983 : vector<384x384xf32>
      %max3A_986 = arith.maximumf %min3A_958, %min3A_983 : vector<384x384xf32>
      %min3A_987 = arith.minimumf %min3A_956, %min3A_985 : vector<384x384xf32>
      %max3A_988 = arith.maximumf %min3A_956, %min3A_985 : vector<384x384xf32>
      %max3A_989 = arith.maximumf %min3A_954, %min3A_987 : vector<384x384xf32>
      %min3A_990 = arith.minimumf %max3A_989, %max3A_988 : vector<384x384xf32>
      %max3A_991 = arith.maximumf %max3A_989, %max3A_988 : vector<384x384xf32>
      %min3A_992 = arith.minimumf %max3A_991, %max3A_986 : vector<384x384xf32>
      %max3A_993 = arith.maximumf %max3A_991, %max3A_986 : vector<384x384xf32>
      %min3A_994 = arith.minimumf %max3A_993, %max3A_984 : vector<384x384xf32>
      %max3A_995 = arith.maximumf %max3A_993, %max3A_984 : vector<384x384xf32>
      %min3A_996 = arith.minimumf %max3A_995, %max3A_982 : vector<384x384xf32>
      %max3A_997 = arith.maximumf %max3A_995, %max3A_982 : vector<384x384xf32>
      %min3A_998 = arith.minimumf %max3A_997, %max3A_980 : vector<384x384xf32>
      %max3A_999 = arith.maximumf %max3A_997, %max3A_980 : vector<384x384xf32>
      %min3A_1000 = arith.minimumf %max3A_999, %max3A_978 : vector<384x384xf32>
      %max3A_1001 = arith.maximumf %max3A_999, %max3A_978 : vector<384x384xf32>
      %min3A_1002 = arith.minimumf %max3A_1001, %max3A_976 : vector<384x384xf32>
      %max3A_1003 = arith.maximumf %max3A_1001, %max3A_976 : vector<384x384xf32>
      %min3A_1004 = arith.minimumf %max3A_1003, %max3A_974 : vector<384x384xf32>
      %max3A_1005 = arith.maximumf %max3A_1003, %max3A_974 : vector<384x384xf32>
      %min3A_1006 = arith.minimumf %max3A_1005, %slice3A_814 : vector<384x384xf32>
      %min3A_1007 = arith.minimumf %min3A_1004, %min3A_1006 : vector<384x384xf32>
      %max3A_1008 = arith.maximumf %min3A_1004, %min3A_1006 : vector<384x384xf32>
      %min3A_1009 = arith.minimumf %min3A_1002, %min3A_1007 : vector<384x384xf32>
      %max3A_1010 = arith.maximumf %min3A_1002, %min3A_1007 : vector<384x384xf32>
      %min3A_1011 = arith.minimumf %min3A_1000, %min3A_1009 : vector<384x384xf32>
      %max3A_1012 = arith.maximumf %min3A_1000, %min3A_1009 : vector<384x384xf32>
      %min3A_1013 = arith.minimumf %min3A_998, %min3A_1011 : vector<384x384xf32>
      %max3A_1014 = arith.maximumf %min3A_998, %min3A_1011 : vector<384x384xf32>
      %min3A_1015 = arith.minimumf %min3A_996, %min3A_1013 : vector<384x384xf32>
      %max3A_1016 = arith.maximumf %min3A_996, %min3A_1013 : vector<384x384xf32>
      %min3A_1017 = arith.minimumf %min3A_994, %min3A_1015 : vector<384x384xf32>
      %max3A_1018 = arith.maximumf %min3A_994, %min3A_1015 : vector<384x384xf32>
      %min3A_1019 = arith.minimumf %min3A_992, %min3A_1017 : vector<384x384xf32>
      %max3A_1020 = arith.maximumf %min3A_992, %min3A_1017 : vector<384x384xf32>
      %max3A_1021 = arith.maximumf %min3A_990, %min3A_1019 : vector<384x384xf32>
      %min3A_1022 = arith.minimumf %max3A_1021, %max3A_1020 : vector<384x384xf32>
      %max3A_1023 = arith.maximumf %max3A_1021, %max3A_1020 : vector<384x384xf32>
      %min3A_1024 = arith.minimumf %max3A_1023, %max3A_1018 : vector<384x384xf32>
      %max3A_1025 = arith.maximumf %max3A_1023, %max3A_1018 : vector<384x384xf32>
      %min3A_1026 = arith.minimumf %max3A_1025, %max3A_1016 : vector<384x384xf32>
      %max3A_1027 = arith.maximumf %max3A_1025, %max3A_1016 : vector<384x384xf32>
      %min3A_1028 = arith.minimumf %max3A_1027, %max3A_1014 : vector<384x384xf32>
      %max3A_1029 = arith.maximumf %max3A_1027, %max3A_1014 : vector<384x384xf32>
      %min3A_1030 = arith.minimumf %max3A_1029, %max3A_1012 : vector<384x384xf32>
      %max3A_1031 = arith.maximumf %max3A_1029, %max3A_1012 : vector<384x384xf32>
      %min3A_1032 = arith.minimumf %max3A_1031, %max3A_1010 : vector<384x384xf32>
      %max3A_1033 = arith.maximumf %max3A_1031, %max3A_1010 : vector<384x384xf32>
      %min3A_1034 = arith.minimumf %max3A_1033, %max3A_1008 : vector<384x384xf32>
      %max3A_1035 = arith.maximumf %max3A_1033, %max3A_1008 : vector<384x384xf32>
      %min3A_1036 = arith.minimumf %max3A_1035, %slice3A_815 : vector<384x384xf32>
      %min3A_1037 = arith.minimumf %min3A_1034, %min3A_1036 : vector<384x384xf32>
      %max3A_1038 = arith.maximumf %min3A_1034, %min3A_1036 : vector<384x384xf32>
      %min3A_1039 = arith.minimumf %min3A_1032, %min3A_1037 : vector<384x384xf32>
      %max3A_1040 = arith.maximumf %min3A_1032, %min3A_1037 : vector<384x384xf32>
      %min3A_1041 = arith.minimumf %min3A_1030, %min3A_1039 : vector<384x384xf32>
      %max3A_1042 = arith.maximumf %min3A_1030, %min3A_1039 : vector<384x384xf32>
      %min3A_1043 = arith.minimumf %min3A_1028, %min3A_1041 : vector<384x384xf32>
      %max3A_1044 = arith.maximumf %min3A_1028, %min3A_1041 : vector<384x384xf32>
      %min3A_1045 = arith.minimumf %min3A_1026, %min3A_1043 : vector<384x384xf32>
      %max3A_1046 = arith.maximumf %min3A_1026, %min3A_1043 : vector<384x384xf32>
      %min3A_1047 = arith.minimumf %min3A_1024, %min3A_1045 : vector<384x384xf32>
      %max3A_1048 = arith.maximumf %min3A_1024, %min3A_1045 : vector<384x384xf32>
      %max3A_1049 = arith.maximumf %min3A_1022, %min3A_1047 : vector<384x384xf32>
      %min3A_1050 = arith.minimumf %max3A_1049, %max3A_1048 : vector<384x384xf32>
      %max3A_1051 = arith.maximumf %max3A_1049, %max3A_1048 : vector<384x384xf32>
      %min3A_1052 = arith.minimumf %max3A_1051, %max3A_1046 : vector<384x384xf32>
      %max3A_1053 = arith.maximumf %max3A_1051, %max3A_1046 : vector<384x384xf32>
      %min3A_1054 = arith.minimumf %max3A_1053, %max3A_1044 : vector<384x384xf32>
      %max3A_1055 = arith.maximumf %max3A_1053, %max3A_1044 : vector<384x384xf32>
      %min3A_1056 = arith.minimumf %max3A_1055, %max3A_1042 : vector<384x384xf32>
      %max3A_1057 = arith.maximumf %max3A_1055, %max3A_1042 : vector<384x384xf32>
      %min3A_1058 = arith.minimumf %max3A_1057, %max3A_1040 : vector<384x384xf32>
      %max3A_1059 = arith.maximumf %max3A_1057, %max3A_1040 : vector<384x384xf32>
      %min3A_1060 = arith.minimumf %max3A_1059, %max3A_1038 : vector<384x384xf32>
      %max3A_1061 = arith.maximumf %max3A_1059, %max3A_1038 : vector<384x384xf32>
      %min3A_1062 = arith.minimumf %max3A_1061, %slice3A_816 : vector<384x384xf32>
      %min3A_1063 = arith.minimumf %min3A_1060, %min3A_1062 : vector<384x384xf32>
      %max3A_1064 = arith.maximumf %min3A_1060, %min3A_1062 : vector<384x384xf32>
      %min3A_1065 = arith.minimumf %min3A_1058, %min3A_1063 : vector<384x384xf32>
      %max3A_1066 = arith.maximumf %min3A_1058, %min3A_1063 : vector<384x384xf32>
      %min3A_1067 = arith.minimumf %min3A_1056, %min3A_1065 : vector<384x384xf32>
      %max3A_1068 = arith.maximumf %min3A_1056, %min3A_1065 : vector<384x384xf32>
      %min3A_1069 = arith.minimumf %min3A_1054, %min3A_1067 : vector<384x384xf32>
      %max3A_1070 = arith.maximumf %min3A_1054, %min3A_1067 : vector<384x384xf32>
      %min3A_1071 = arith.minimumf %min3A_1052, %min3A_1069 : vector<384x384xf32>
      %max3A_1072 = arith.maximumf %min3A_1052, %min3A_1069 : vector<384x384xf32>
      %max3A_1073 = arith.maximumf %min3A_1050, %min3A_1071 : vector<384x384xf32>
      %min3A_1074 = arith.minimumf %max3A_1073, %max3A_1072 : vector<384x384xf32>
      %max3A_1075 = arith.maximumf %max3A_1073, %max3A_1072 : vector<384x384xf32>
      %min3A_1076 = arith.minimumf %max3A_1075, %max3A_1070 : vector<384x384xf32>
      %max3A_1077 = arith.maximumf %max3A_1075, %max3A_1070 : vector<384x384xf32>
      %min3A_1078 = arith.minimumf %max3A_1077, %max3A_1068 : vector<384x384xf32>
      %max3A_1079 = arith.maximumf %max3A_1077, %max3A_1068 : vector<384x384xf32>
      %min3A_1080 = arith.minimumf %max3A_1079, %max3A_1066 : vector<384x384xf32>
      %max3A_1081 = arith.maximumf %max3A_1079, %max3A_1066 : vector<384x384xf32>
      %min3A_1082 = arith.minimumf %max3A_1081, %max3A_1064 : vector<384x384xf32>
      %max3A_1083 = arith.maximumf %max3A_1081, %max3A_1064 : vector<384x384xf32>
      %min3A_1084 = arith.minimumf %max3A_1083, %slice3A_817 : vector<384x384xf32>
      %min3A_1085 = arith.minimumf %min3A_1082, %min3A_1084 : vector<384x384xf32>
      %max3A_1086 = arith.maximumf %min3A_1082, %min3A_1084 : vector<384x384xf32>
      %min3A_1087 = arith.minimumf %min3A_1080, %min3A_1085 : vector<384x384xf32>
      %max3A_1088 = arith.maximumf %min3A_1080, %min3A_1085 : vector<384x384xf32>
      %min3A_1089 = arith.minimumf %min3A_1078, %min3A_1087 : vector<384x384xf32>
      %max3A_1090 = arith.maximumf %min3A_1078, %min3A_1087 : vector<384x384xf32>
      %min3A_1091 = arith.minimumf %min3A_1076, %min3A_1089 : vector<384x384xf32>
      %max3A_1092 = arith.maximumf %min3A_1076, %min3A_1089 : vector<384x384xf32>
      %max3A_1093 = arith.maximumf %min3A_1074, %min3A_1091 : vector<384x384xf32>
      %min3A_1094 = arith.minimumf %max3A_1093, %max3A_1092 : vector<384x384xf32>
      %max3A_1095 = arith.maximumf %max3A_1093, %max3A_1092 : vector<384x384xf32>
      %min3A_1096 = arith.minimumf %max3A_1095, %max3A_1090 : vector<384x384xf32>
      %max3A_1097 = arith.maximumf %max3A_1095, %max3A_1090 : vector<384x384xf32>
      %min3A_1098 = arith.minimumf %max3A_1097, %max3A_1088 : vector<384x384xf32>
      %max3A_1099 = arith.maximumf %max3A_1097, %max3A_1088 : vector<384x384xf32>
      %min3A_1100 = arith.minimumf %max3A_1099, %max3A_1086 : vector<384x384xf32>
      %max3A_1101 = arith.maximumf %max3A_1099, %max3A_1086 : vector<384x384xf32>
      %min3A_1102 = arith.minimumf %max3A_1101, %slice3A_818 : vector<384x384xf32>
      %min3A_1103 = arith.minimumf %min3A_1100, %min3A_1102 : vector<384x384xf32>
      %max3A_1104 = arith.maximumf %min3A_1100, %min3A_1102 : vector<384x384xf32>
      %min3A_1105 = arith.minimumf %min3A_1098, %min3A_1103 : vector<384x384xf32>
      %max3A_1106 = arith.maximumf %min3A_1098, %min3A_1103 : vector<384x384xf32>
      %min3A_1107 = arith.minimumf %min3A_1096, %min3A_1105 : vector<384x384xf32>
      %max3A_1108 = arith.maximumf %min3A_1096, %min3A_1105 : vector<384x384xf32>
      %max3A_1109 = arith.maximumf %min3A_1094, %min3A_1107 : vector<384x384xf32>
      %min3A_1110 = arith.minimumf %max3A_1109, %max3A_1108 : vector<384x384xf32>
      %max3A_1111 = arith.maximumf %max3A_1109, %max3A_1108 : vector<384x384xf32>
      %min3A_1112 = arith.minimumf %max3A_1111, %max3A_1106 : vector<384x384xf32>
      %max3A_1113 = arith.maximumf %max3A_1111, %max3A_1106 : vector<384x384xf32>
      %min3A_1114 = arith.minimumf %max3A_1113, %max3A_1104 : vector<384x384xf32>
      %max3A_1115 = arith.maximumf %max3A_1113, %max3A_1104 : vector<384x384xf32>
      %min3A_1116 = arith.minimumf %max3A_1115, %slice3A_819 : vector<384x384xf32>
      %min3A_1117 = arith.minimumf %min3A_1114, %min3A_1116 : vector<384x384xf32>
      %max3A_1118 = arith.maximumf %min3A_1114, %min3A_1116 : vector<384x384xf32>
      %min3A_1119 = arith.minimumf %min3A_1112, %min3A_1117 : vector<384x384xf32>
      %max3A_1120 = arith.maximumf %min3A_1112, %min3A_1117 : vector<384x384xf32>
      %max3A_1121 = arith.maximumf %min3A_1110, %min3A_1119 : vector<384x384xf32>
      %min3A_1122 = arith.minimumf %max3A_1121, %max3A_1120 : vector<384x384xf32>
      %max3A_1123 = arith.maximumf %max3A_1121, %max3A_1120 : vector<384x384xf32>
      %min3A_1124 = arith.minimumf %max3A_1123, %max3A_1118 : vector<384x384xf32>
      %max3A_1125 = arith.maximumf %max3A_1123, %max3A_1118 : vector<384x384xf32>
      %min3A_1126 = arith.minimumf %max3A_1125, %slice3A_820 : vector<384x384xf32>
      %min3A_1127 = arith.minimumf %min3A_1124, %min3A_1126 : vector<384x384xf32>
      %max3A_1128 = arith.maximumf %min3A_1124, %min3A_1126 : vector<384x384xf32>
      %max3A_1129 = arith.maximumf %min3A_1122, %min3A_1127 : vector<384x384xf32>
      %min3A_1130 = arith.minimumf %max3A_1129, %max3A_1128 : vector<384x384xf32>
      %max3A_1131 = arith.maximumf %max3A_1129, %max3A_1128 : vector<384x384xf32>
      %min3A_1132 = arith.minimumf %max3A_1131, %slice3A_821 : vector<384x384xf32>
      %max3A_1133 = arith.maximumf %min3A_1130, %min3A_1132 : vector<384x384xf32>
      %select_n3A_1134 = arith.select %le3A_6, %max3A_1133, %scan3A_94 : vector<384x384xi1>, vector<384x384xf32>
      scf.yield %select_n3A, %select_n3A_786, %select_n3A_1134 : vector<384x384xf32>, vector<384x384xf32>, vector<384x384xf32>
    }
    %gt3A = arith.constant 0.000000e+00 : f32
    %gt3A_29 = vector.broadcast %gt3A : f32 to vector<384x384xf32>
    %gt3A_30 = arith.cmpf ogt, %scan3A_28#0, %gt3A_29 : vector<384x384xf32>
    %gt3A_31 = arith.constant 0.000000e+00 : f32
    %gt3A_32 = vector.broadcast %gt3A_31 : f32 to vector<384x384xf32>
    %gt3A_33 = arith.cmpf ogt, %scan3A_28#1, %gt3A_32 : vector<384x384xf32>
    %or3A = arith.ori %gt3A_30, %gt3A_33 : vector<384x384xi1>
    %gt3A_34 = arith.constant 0.000000e+00 : f32
    %gt3A_35 = vector.broadcast %gt3A_34 : f32 to vector<384x384xf32>
    %gt3A_36 = arith.cmpf ogt, %scan3A_28#2, %gt3A_35 : vector<384x384xf32>
    %or3A_37 = arith.ori %or3A, %gt3A_36 : vector<384x384xi1>
    %convert_element_type3A = arith.extui %or3A_37 : vector<384x384xi1> to vector<384x384xi32>
    %convert_element_type3A_38 = arith.sitofp %convert_element_type3A : vector<384x384xi32> to vector<384x384xf32>
    %jit3A = arith.constant 0 : i32
    %convert_element_type3A_39 = arith.sitofp %jit3A : i32 to f32
    %pad3A = vector.broadcast %convert_element_type3A_39 : f32 to vector<1x384xf32>
    %pad3A_40 = tpu.concatenate %pad3A, %convert_element_type3A_38 in 0 : vector<1x384xf32>, vector<384x384xf32> -> vector<385x384xf32>
    %pad3A_41 = vector.broadcast %convert_element_type3A_39 : f32 to vector<1x384xf32>
    %pad3A_42 = tpu.concatenate %pad3A_40, %pad3A_41 in 0 : vector<385x384xf32>, vector<1x384xf32> -> vector<386x384xf32>
    %pad3A_43 = vector.broadcast %convert_element_type3A_39 : f32 to vector<386x1xf32>
    %pad3A_44 = tpu.concatenate %pad3A_43, %pad3A_42 in 1 : vector<386x1xf32>, vector<386x384xf32> -> vector<386x385xf32>
    %pad3A_45 = vector.broadcast %convert_element_type3A_39 : f32 to vector<386x1xf32>
    %pad3A_46 = tpu.concatenate %pad3A_44, %pad3A_45 in 1 : vector<386x385xf32>, vector<386x1xf32> -> vector<386x386xf32>
    %slice3A = vector.extract_strided_slice %pad3A_46 {offsets = [0, 0], sizes = [384, 384], strides = [1, 1]} : vector<386x386xf32> to vector<384x384xf32>
    %add3A = arith.constant 0.000000e+00 : f32
    %add3A_47 = vector.broadcast %add3A : f32 to vector<384x384xf32>
    %add3A_48 = arith.addf %add3A_47, %slice3A : vector<384x384xf32>
    %slice3A_49 = vector.extract_strided_slice %pad3A_46 {offsets = [0, 1], sizes = [384, 384], strides = [1, 1]} : vector<386x386xf32> to vector<384x384xf32>
    %add3A_50 = arith.addf %add3A_48, %slice3A_49 : vector<384x384xf32>
    %slice3A_51 = vector.extract_strided_slice %pad3A_46 {offsets = [0, 2], sizes = [384, 384], strides = [1, 1]} : vector<386x386xf32> to vector<384x384xf32>
    %add3A_52 = arith.addf %add3A_50, %slice3A_51 : vector<384x384xf32>
    %slice3A_53 = vector.extract_strided_slice %pad3A_46 {offsets = [1, 0], sizes = [384, 384], strides = [1, 1]} : vector<386x386xf32> to vector<384x384xf32>
    %add3A_54 = arith.addf %add3A_52, %slice3A_53 : vector<384x384xf32>
    %slice3A_55 = vector.extract_strided_slice %pad3A_46 {offsets = [1, 1], sizes = [384, 384], strides = [1, 1]} : vector<386x386xf32> to vector<384x384xf32>
    %add3A_56 = arith.addf %add3A_54, %slice3A_55 : vector<384x384xf32>
    %slice3A_57 = vector.extract_strided_slice %pad3A_46 {offsets = [1, 2], sizes = [384, 384], strides = [1, 1]} : vector<386x386xf32> to vector<384x384xf32>
    %add3A_58 = arith.addf %add3A_56, %slice3A_57 : vector<384x384xf32>
    %slice3A_59 = vector.extract_strided_slice %pad3A_46 {offsets = [2, 0], sizes = [384, 384], strides = [1, 1]} : vector<386x386xf32> to vector<384x384xf32>
    %add3A_60 = arith.addf %add3A_58, %slice3A_59 : vector<384x384xf32>
    %slice3A_61 = vector.extract_strided_slice %pad3A_46 {offsets = [2, 1], sizes = [384, 384], strides = [1, 1]} : vector<386x386xf32> to vector<384x384xf32>
    %add3A_62 = arith.addf %add3A_60, %slice3A_61 : vector<384x384xf32>
    %slice3A_63 = vector.extract_strided_slice %pad3A_46 {offsets = [2, 2], sizes = [384, 384], strides = [1, 1]} : vector<386x386xf32> to vector<384x384xf32>
    %add3A_64 = arith.addf %add3A_62, %slice3A_63 : vector<384x384xf32>
    %ge3A = arith.constant 6.000000e+00 : f32
    %ge3A_65 = vector.broadcast %ge3A : f32 to vector<384x384xf32>
    %ge3A_66 = arith.cmpf oge, %add3A_64, %ge3A_65 : vector<384x384xf32>
    %convert_element_type3A_67 = arith.extui %ge3A_66 : vector<384x384xi1> to vector<384x384xi32>
    %convert_element_type3A_68 = arith.sitofp %convert_element_type3A_67 : vector<384x384xi32> to vector<384x384xf32>
    %mul3A = arith.mulf %scan3A_28#0, %convert_element_type3A_68 : vector<384x384xf32>
    %swap3A = arith.constant 0 : index
    %swap3A_69 = arith.constant 0 : index
    %swap3A_70 = arith.constant 0 : index
    %swap3A_71 = arith.constant 0 : index
    %swap3A_72 = vector.load %arg2[%swap3A, %swap3A_69, %swap3A_70, %swap3A_71] : memref<1x3x384x384xf32, #tpu.memory_space<vmem>>, vector<1x1x384x384xf32>
    %swap3A_73 = vector.shape_cast %swap3A_72 : vector<1x1x384x384xf32> to vector<384x384xf32>
    %swap3A_74 = vector.shape_cast %mul3A : vector<384x384xf32> to vector<1x1x384x384xf32>
    tpu.vector_store %arg2[%swap3A, %swap3A_69, %swap3A_70, %swap3A_71], %swap3A_74 {strides = array<i32>} : memref<1x3x384x384xf32, #tpu.memory_space<vmem>>, vector<1x1x384x384xf32>,
    %mul3A_75 = arith.mulf %scan3A_28#1, %convert_element_type3A_68 : vector<384x384xf32>
    %swap3A_76 = arith.constant 0 : index
    %swap3A_77 = arith.constant 1 : index
    %swap3A_78 = arith.constant 0 : index
    %swap3A_79 = arith.constant 0 : index
    %swap3A_80 = vector.load %arg2[%swap3A_76, %swap3A_77, %swap3A_78, %swap3A_79] : memref<1x3x384x384xf32, #tpu.memory_space<vmem>>, vector<1x1x384x384xf32>
    %swap3A_81 = vector.shape_cast %swap3A_80 : vector<1x1x384x384xf32> to vector<384x384xf32>
    %swap3A_82 = vector.shape_cast %mul3A_75 : vector<384x384xf32> to vector<1x1x384x384xf32>
    tpu.vector_store %arg2[%swap3A_76, %swap3A_77, %swap3A_78, %swap3A_79], %swap3A_82 {strides = array<i32>} : memref<1x3x384x384xf32, #tpu.memory_space<vmem>>, vector<1x1x384x384xf32>,
    %mul3A_83 = arith.mulf %scan3A_28#2, %convert_element_type3A_68 : vector<384x384xf32>
    %swap3A_84 = arith.constant 0 : index
    %swap3A_85 = arith.constant 2 : index
    %swap3A_86 = arith.constant 0 : index
    %swap3A_87 = arith.constant 0 : index
    %swap3A_88 = vector.load %arg2[%swap3A_84, %swap3A_85, %swap3A_86, %swap3A_87] : memref<1x3x384x384xf32, #tpu.memory_space<vmem>>, vector<1x1x384x384xf32>
    %swap3A_89 = vector.shape_cast %swap3A_88 : vector<1x1x384x384xf32> to vector<384x384xf32>
    %swap3A_90 = vector.shape_cast %mul3A_83 : vector<384x384xf32> to vector<1x1x384x384xf32>
    tpu.vector_store %arg2[%swap3A_84, %swap3A_85, %swap3A_86, %swap3A_87], %swap3A_90 {strides = array<i32>} : memref<1x3x384x384xf32, #tpu.memory_space<vmem>>, vector<1x1x384x384xf32>,
    return
  }
  func.func @transform_0(%arg0: i32) -> (i32, i32, i32, i32) {
    %c0_i32 = arith.constant 0 : i32
    %c0_i32_0 = arith.constant 0 : i32
    %c0_i32_1 = arith.constant 0 : i32
    %c0_i32_2 = arith.constant 0 : i32
    return %arg0, %c0_i32, %c0_i32_0, %c0_i32_1 : i32, i32, i32, i32
  }
  func.func @transform_1(%arg0: i32) -> (i32, i32, i32, i32) {
    %c0_i32 = arith.constant 0 : i32
    %c0_i32_0 = arith.constant 0 : i32
    %c0_i32_1 = arith.constant 0 : i32
    %c0_i32_2 = arith.constant 0 : i32
    return %arg0, %c0_i32, %c0_i32_0, %c0_i32_1 : i32, i32, i32, i32
  }
}

</mosaic_0001>

<sc_bundles>
// kernel: kernel.5.cloned.1.call-start
scs
__scs_entry_jumppad:
0x0: {  	(pc) =	sbr.rel $0x88, $3  }
0x1: {  	(tag) =	ssettag $0x0;
	lr =	simm.s32 $0x1  }
0x2: {  	[smem:$0x3F9D] =	sst lr;
	_ =	strace $0xD0000000  }
0x3: {  	_ = 	snop  }
0x4: {  	_ = 	snop  }
0x5: {  	_ = 	snop  }
0x6: {  	_ = 	snop  }
0x7: {  	_ = 	snop  }
__scs_overlays_trampoline_lowered:
0x8: {  	[smem:$0x3FAC] =	sst s0  }
0x9: {  	[smem:$0x3FAD] =	sst s1  }
0xa: {  	[smem:$0x3FAE] =	sst s2  }
0xb: {  	[smem:$0x3FAF] =	sst s3  }
0xc: {  	[smem:$0x3FB0] =	sst s4  }
0xd: {  	[smem:$0x3FB1] =	sst s5  }
0xe: {  	[smem:$0x3FB2] =	sst s6  }
0xf: {  	[smem:$0x3FB3] =	sst s7  }
0x10: {  	[smem:$0x3FB4] =	sst s8  }
0x11: {  	[smem:$0x3FB5] =	sst s9;
	s0 =	simm.s32 @!p0 $0x0  }
0x12: {  	s1 =	sld [smem:$0x3F9B];
	s0 =	simm.s32 @p0 $0x1  }
0x13: {  	[smem:$0x3FB6] =	sst s0;
	s0 =	simm.s32 @!p1 $0x0  }
0x14: {  	s2 =	sld [smem:$0x3F9A];
	s0 =	simm.s32 @p1 $0x1  }
0x15: {  	[smem:$0x3FB7] =	sst s0;
	s0 =	simm.s32 @!p2 $0x0  }
0x16: {  	s3 =	sld [smem:$0x3FDB];
	s0 =	simm.s32 @p2 $0x1  }
0x17: {  	s4 =	simm.s32 $0x1BF5;
	[smem:$0x3FB9] =	sst s0  }
0x18: {  	s0 =	sld [smem:$0x3F9C];
	_ =	swait.ge [sflag:s4], $0x0  }
0x19: {  	s7 =	sld [smem:$0x3F9D]  }
0x1a: {  	s8 =	sadd.s32 $0xFFFFE003, lr  }
0x1b: {  	s9 =	sadd.s32 $0xFFFFFEF7, lr;
	s5 =	simm.s32 $0xFFFFFFFF;
	p2 =	slt.u32 s8, $0xFFFFF086  }
0x1c: {  	p1 =	slt.u32 s9, $0xF7A;
	s5 =	simm.s32 @!p2 $0x0  }
0x1d: {  	s5 =	simm.s32 @p1 $0x1;
	p0 =	seq.s32 s7, s2  }
0x1e: {  	s7 =	smul.u32 @!p0 $0xF7A, s2;
	p2 =	seq.s32 @!p0 s5, $0x0  }
0x1f: {  	s9 =	smul.u32 $0xF7A, s1;
	s8 =	simm.s32 @!p0 $0x1BF5;
	p2 =	por !p2, p0  }
0x20: {  	[sflag:s8] =	ssyncset.s32 @!p0 $0xFFFFF086;
	s6 =	sadd.s32 @!p0 s3, s7;
	s7 =	simm.s32 @!p0 $0x108  }
0x21: {  	s3 =	sadd.s32 s3, s9;
	s6 =	sadd.s32 @!p0 $0x88, s6;
	s7 =	simm.s32 @p2 $0x1082  }
0x22: {  	[simem:s7], [sflag:s8] =	dma.local @!p0 [hbm:s6], $0xF7A  }
0x23: {  	s9 =	sor.u32 $0xD0000000, s2;
	s6 =	simm.s32 $0x108;
	_ =	swait.ge @!p0 [sflag:s8], $0x0  }
0x24: {  	s3 =	sadd.s32 $0x88, s3;
	s6 =	simm.s32 @!p1 $0x1082;
	[sflag:s4] =	ssyncset.s32 $0xFFFFF086  }
0x25: {  	[simem:s6], [sflag:s4] =	dma.local [hbm:s3], $0xF7A  }
0x26: {  	[smem:$0x3F9D] =	sst s1;
	(tag) =	ssettag s2;
	_ =	strace s9  }
0x27: {  	s1 =	sld [smem:$0x3FAD]  }
0x28: {  	s2 =	sld [smem:$0x3FAE]  }
0x29: {  	s4 =	sld [smem:$0x3FB0]  }
0x2a: {  	p0 =	seq.s32 s5, $0x0;
	s5 =	sld [smem:$0x3FB1]  }
0x2b: {  	s6 =	sld [smem:$0x3FB2]  }
0x2c: {  	s7 =	sld [smem:$0x3FB3]  }
0x2d: {  	s3 =	simm.s32 $0x108;
	s8 =	sld [smem:$0x3FB4]  }
0x2e: {  	s3 =	simm.s32 @!p0 $0x1082;
	s9 =	sld [smem:$0x3FB5]  }
0x2f: {  	lr =	sadd.s32 s0, s3;
	s0 =	sld [smem:$0x3FAC]  }
0x30: {  	s3 =	sld [smem:$0x3FAF]  }
0x31: {  	[smem:$0x3FB8] =	sst s10  }
0x32: {  	s10 =	sld [smem:$0x3FB6];
	_ =	sdelay $0x3  }
0x33: {  	p0 =	seq.s32 s10, $0x1;
	s10 =	sld [smem:$0x3FB8];
	_ =	sdelay $0x3  }
0x34: {  	[smem:$0x3FB8] =	sst s10  }
0x35: {  	s10 =	sld [smem:$0x3FB7];
	_ =	sdelay $0x3  }
0x36: {  	p1 =	seq.s32 s10, $0x1;
	s10 =	sld [smem:$0x3FB8];
	_ =	sdelay $0x3  }
0x37: {  	[smem:$0x3FB8] =	sst s10  }
0x38: {  	s10 =	sld [smem:$0x3FB9]  }
0x39: {  	_ = 	snop;
	(pc) =	sbr.ind lr, $3  }
0x3a: {  	_ = 	snop  }
0x3b: {  	_ = 	snop  }
0x3c: {  	p2 =	seq.s32 s10, $0x1;
	s10 =	sld [smem:$0x3FB8]  }
0x3d: {  	_ =	shalt  }
0x3e: {  	_ =	shalt  }
0x3f: {  	_ =	shalt  }
0x40: {  	_ =	shalt  }
0x41: {  	_ =	shalt  }
0x42: {  	_ =	shalt  }
0x43: {  	_ =	shalt  }
0x44: {  	_ =	shalt  }
0x45: {  	_ =	shalt  }
0x46: {  	_ =	shalt  }
0x47: {  	_ =	shalt  }
0x48: {  	_ =	shalt  }
0x49: {  	_ =	shalt  }
0x4a: {  	_ =	shalt  }
0x4b: {  	_ =	shalt  }
0x4c: {  	_ =	shalt  }
0x4d: {  	_ =	shalt  }
0x4e: {  	_ =	shalt  }
0x4f: {  	_ =	shalt  }
0x50: {  	_ =	shalt  }
0x51: {  	_ =	shalt  }
0x52: {  	_ =	shalt  }
0x53: {  	_ =	shalt  }
0x54: {  	_ =	shalt  }
0x55: {  	_ =	shalt  }
0x56: {  	_ =	shalt  }
0x57: {  	_ =	shalt  }
0x58: {  	_ =	shalt  }
0x59: {  	_ =	shalt  }
0x5a: {  	_ =	shalt  }
0x5b: {  	_ =	shalt  }
0x5c: {  	_ =	shalt  }
0x5d: {  	_ =	shalt  }
0x5e: {  	_ =	shalt  }
0x5f: {  	_ =	shalt  }
0x60: {  	_ =	shalt  }
0x61: {  	_ =	shalt  }
0x62: {  	_ =	shalt  }
0x63: {  	_ =	shalt  }
0x64: {  	_ =	shalt  }
0x65: {  	_ =	shalt  }
0x66: {  	_ =	shalt  }
0x67: {  	_ =	shalt  }
0x68: {  	_ =	shalt  }
0x69: {  	_ =	shalt  }
0x6a: {  	_ =	shalt  }
0x6b: {  	_ =	shalt  }
0x6c: {  	_ =	shalt  }
0x6d: {  	_ =	shalt  }
0x6e: {  	_ =	shalt  }
0x6f: {  	_ =	shalt  }
0x70: {  	_ =	shalt  }
0x71: {  	_ =	shalt  }
0x72: {  	_ =	shalt  }
0x73: {  	_ =	shalt  }
0x74: {  	_ =	shalt  }
0x75: {  	_ =	shalt  }
0x76: {  	_ =	shalt  }
0x77: {  	_ =	shalt  }
0x78: {  	_ =	shalt  }
0x79: {  	_ =	shalt  }
0x7a: {  	_ =	shalt  }
0x7b: {  	_ =	shalt  }
0x7c: {  	_ =	shalt  }
0x7d: {  	_ =	shalt  }
0x7e: {  	_ =	shalt  }
0x7f: {  	_ =	shalt  }
0x80: {  	_ =	shalt  }
0x81: {  	_ =	shalt  }
0x82: {  	_ =	shalt  }
0x83: {  	_ =	shalt  }
0x84: {  	_ =	shalt  }
0x85: {  	_ =	shalt  }
0x86: {  	_ =	shalt  }
0x87: {  	_ =	shalt  }
.Lfunc_end0:
.L_simem_size_0:
called_computation_lowered:
.L_overlay_start_0:
0x88: {  	s2 =	sld [smem:$0x3FD9]  }
0x89: {  	s3 =	sld [smem:$0x3FFE];
	_ =	sdelay $0x1  }
0x8a: {  	s1 =	srdreg.scid  }
0x8b: {  	s0 =	sand.u32 $0x1, s1  }
0x8c: {  	s17 =	sshll.u32 s0, $0xA;
	s2 =	sadd.s32 s3, s2  }
0x8d: {  	s2 =	sadd.s32 s2, s17  }
0x8e: {  	[smem:$0x3FC4] =	sst s2  }
0x8f: {  	_ = 	snop  }
0x90: {  	s2 =	sld [smem:$0x3FD0];
	(tm) =	ssettm $0x1  }
0x91: {  	s18 =	sld [smem:$0x3FFB];
	_ =	sdelay $0x3  }
0x92: {  	_ =	strace s18  }
0x93: {  	s3 =	sld [smem:$0x3FFC];
	_ =	sdelay $0x3  }
0x94: {  	_ =	strace s3  }
0x95: {  	s3 =	sld [smem:$0x3FFD];
	_ =	sdelay $0x3  }
0x96: {  	_ =	strace s3  }
0x97: {  	_ =	strace $0x8FFFFFFF  }
0x98: {  	s19 =	sld [smem:$0x3FDB];
	_ =	sdelay $0x1  }
0x99: {  	s4 =	simm.s32 $_scs_section_size  }
0x9a: {  	s5 =	simm.s32 $_size__tile_overlayer_lowered;
	s6 =	simm.s32 $_tile_overlayer_lowered  }
0x9b: {  	s22 =	simm.s32 $0x1BFF;
	s21 =	sshll.u32 s6, $0x1;
	s3 =	sadd.s32 s4, s19  }
0x9c: {  	s7 =	simm.s32 $0x0;
	s20 =	sshll.u32 s5, $0x1;
	s5 =	sadd.s32 s21, s3  }
0x9d: {  	[timem:s7], [sflag:s22] =	dma.local [hbm:s5], s20  }
0x9e: {  	_ =	swait.ge [sflag:s22], s20  }
0x9f: {  	s4 =	ssub.s32 $0x0, s20;
	[sflag:s22] =	ssyncset.done $0x0  }
0xa0: {  	[sflag:s22] =	ssyncadd.s32 s4;
	_ =	sdelay $0x1  }
0xa1: {  	s23 =	simm.s32 $0x1B8B  }
0xa2: {  	_ =	swait.ge [sflag:s23], $0x1  }
0xa3: {  	[sflag:s23] =	ssyncset.done $0x0  }
0xa4: {  	s25 =	simm.s32 $0x1B8E;
	s24 =	sld [smem:$0x3FFE];
	[sflag:s23] =	ssyncadd.s32 $0xFFFFFFFF  }
0xa5: {  	s26 =	simm.s32 $execute0_lowered;
	[smem:$0x3FD2] =	sst s25  }
0xa6: {  	s5 =	sshll.u32 s26, $0x1;
	_ =	strace $0x80000046;
	[dreg:$0x1] =	wrdreg $0xFFFFFFFF  }
0xa7: {  	s28 =	simm.s32 $_size_execute0_lowered;
	s3 =	sadd.s32 s3, s5;
	[dreg:$0x0] =	wrdreg $0x0  }
0xa8: {  	s5 =	sshll.u32 s28, $0x1;
	[dreg:$0x2] =	wrdreg s3  }
0xa9: {  	[dreg:$0x3] =	wrdreg s5  }
0xaa: {  	[dreg:$0x4] =	wrdreg $0xC0  }
0xab: {  	_ =	task [dreg:s7], $0x5FFFF  }
0xac: {  	[dreg:$0x1] =	wrdreg $0xFFFFFFFF  }
0xad: {  	[dreg:$0x0] =	wrdreg $0x60  }
0xae: {  	[dreg:$0x2] =	wrdreg s2  }
0xaf: {  	[dreg:$0x3] =	wrdreg s24  }
0xb0: {  	[dreg:$0x4] =	wrdreg $0x9  }
0xb1: {  	_ =	task.clear_ibuf [dreg:s7], $0x5FFFF;
	_ =	strace $0x90000046  }
0xb2: {  	s29 =	simm.s32 $0x9;
	_ =	strace $0x80000048  }
0xb3: {  	_ =	swait.ge [sflag:s29], $0x1  }
0xb4: {  	[sflag:s29] =	ssyncadd.s32 $0xFFFFFFFF  }
0xb5: {  	_ =	strace $0x90000048  }
0xb6: {  	_ =	sfence  }
0xb7: {  	s30 =	sld [smem:$0x0];
	_ =	sdelay $0x2  }
0xb8: {  	s31 =	sshll.u32 s1, $0xD;
	s1 =	sshrl.u32 s1, $0x2  }
0xb9: {  	s3 =	sand.u32 $0x4000, s31;
	s1 =	sadd.s32 s1, s30  }
0xba: {  	s0 =	sor.u32 s3, s0;
	s1 =	sshll.u32 s1, $0x11  }
0xbb: {  	s0 =	sor.u32 s1, s0  }
0xbc: {  	s0 =	sadd.s32 $0x8F2B, s0  }
0xbd: {  	[sflag:s0] =	ssyncadd.remote.s32 $0x1  }
0xbe: {  	_ =	sfence.sel $0xFFFF  }
0xbf: {  	[dreg:$0x0] =	wrdreg $0xFFFFFFFF;
	(pc) =	sbr.abs _section_cstart, $3  }
0xc0: {  	[dreg:$0x1] =	wrdreg $0xFFFFFFFF  }
0xc1: {  	_ =	task.clear_ibuf [dreg:s7], $0x2FFFF;
	_ =	strace $0x9FFFFFFF  }
0xc2: {  	(tm) =	ssettm $0x7FFFFFFF  }
0xc3: {  	_ =	shalt  }
tec
execute0_lowered:
.L_overlay_start_1:
0x0: {  	(tag) =	ssettag $0x1  }
0x1: {  	s1 =	rddreg [dreg:$0x0]  }
0x2: {  	s8 =	rddreg [dreg:$0x1]  }
0x3: {  	s2 =	srdreg.scid;
	s0 =	rddreg [dreg:$0x2]  }
0x4: {  	s3 =	simm.s32 $0x0;
	s13 =	simm.s32 $0x2;
	s14 =	simm.s32 $0x4000  }
0x5: {  	s15 =	simm.s32 $0x8000;
	s16 =	simm.s32 $0xA400;
	s19 =	simm.s32 $0xEC00  }
0x6: {  	s20 =	simm.s32 $0x11000;
	s21 =	simm.s32 $0x13400;
	s9 =	sand.u32 $0x1, s2  }
0x7: {  	s22 =	simm.s32 $0x0;
	s2 =	stileid.u32;
	s7 =	smul.u32 $0x24000, s9  }
0x8: {  	[smem:$0x7FF] =	sst s3;
	s4 =	sadd.s32 $0x1C00, s8;
	s10 =	smul.u32 $0x2400, s2  }
0x9: {  	s5 =	sadd.s32 $0x31C00, s8;
	s6 =	sadd.s32 $0x21C00, s8;
	s31 =	ssub.s32 $0x2, s9  }
0xa: {  	_ =	strace $0x80000047;
	s12 =	sshrl.u32 s31, $0x1;
	s17 =	sadd.s32 s10, s7  }
0xb: {  	s7 =	sadd.s32 $0x11C00, s8;
	s12 =	ssub.s32 s31, s12;
	s11 =	sshrl.u32 s17, $0x3  }
0xc: {  	s18 =	sadd.s32 $0x2400, s17;
	s12 =	smax.u32 s12, $0x1;
	v0 =	vmov s17;
	s17 =	simm.s32 $0x80  }
0xd: {  	s11 =	sadd.s32 s11, s8;
	s8 =	sshll.u32 s9, $0x12;
	v1 =	vmov s18;
	s18 =	simm.s32 $0x1  }
0xe: {  	v2 =	vimm.s32 $0x7FFFFFFF;
	v3 =	vimm.s32 $0xFFFFFFFF;
	v4 =	vlaneseq.u32;
	s9 =	sadd.s32 $0x41C00, s11;
	s10 =	sadd.s32 $0x4AC00, s11;
	s11 =	sadd.s32 $0x53C00, s11  }
.LBB2_1:
0xf: {  	s23 =	simm.s32 $0x40;
	s24 =	simm.s32 $0x0  }
.LBB2_2:
0x10: {  	p0 =	sne.s32 s23, $0x8FC0;
	[tilespmem:s24+$0x8000] =	vst v2;
	s25 =	smov.u32 s23;
	s23 =	sadd.s32 $0x40, s23  }
.Ltmp0:
0x11: {  	[tilespmem:s24+$0xA400] =	vst v3;
	(pc) =	sbr.rel @p0 .LBB2_2-.Ltmp0, $2  }
0x12: {  	_ =	sdelay $0x2  }
0x13: {  	s24 =	sshra.s32 s25, $0x2  }
.Ltmp1:
0x14: {  	(pc) =	sbr.rel .LBB2_4-.Ltmp1, $3  }
0x15: {  	_ =	sdelay $0x1  }
0x16: {  	[tilespmem:s24+$0x8000] =	vst v2  }
0x17: {  	s23 =	simm.s32 $0x0;
	[tilespmem:s24+$0xA400] =	vst v3;
	s24 =	simm.s32 $0x0  }
.LBB2_8:
0x18: {  	s24 =	sadd.s32 $0x1, s24  }
0x19: {  	p0 =	sne.s32 s24, $0x10  }
.Ltmp2:
0x1a: {  	_ = 	snop;
	(pc) =	sbr.rel @!p0 .LBB2_9-.Ltmp2, $1  }
0x1b: {  	_ =	sdelay $0x3  }
.LBB2_4:
0x1c: {  	s25 =	sshll.u32 s24, $0xE  }
0x1d: {  	s25 =	sadd.s32 s8, s25  }
0x1e: {  	s26 =	sshrl.u32 s25, $0x3  }
0x1f: {  	s28 =	sadd.s32 s1, s26  }
0x20: {  	[tilespmem:s23], [sflag:$0x2] =	stream.linear.gather [hbm4b:s28+s23], $0x4000, $0x38;
	[tilespmem:$0x15800] =	vst v63  }
0x21: {  	_ =	swait.ge [sflag:s13], $0x4000  }
0x22: {  	[sflag:s13] =	ssyncset.done $0x0  }
.Ltmp3:
0x23: {  	s26 =	sadd.s32 s4, s26;
	[sflag:s13] =	ssyncadd.s32 $0xFFFFC000;
	(pc) =	sbr.rel .LBB2_5-.Ltmp3, $4  }
0x24: {  	[tilespmem:s14], [sflag:$0x2] =	stream.linear.gather [hbm4b:s26+s23], $0x4000, $0x38;
	[tilespmem:$0x15800] =	vst v63  }
0x25: {  	_ =	swait.ge [sflag:s13], $0x4000  }
0x26: {  	[sflag:s13] =	ssyncset.done $0x0  }
0x27: {  	s26 =	simm.s32 $0x0;
	[sflag:s13] =	ssyncadd.s32 $0xFFFFC000  }
.LBB2_7:
0x28: {  	s26 =	sadd.s32 $0x1, s26  }
0x29: {  	p0 =	sne.s32 s26, $0x100  }
.Ltmp4:
0x2a: {  	_ = 	snop;
	(pc) =	sbr.rel @!p0 .LBB2_8-.Ltmp4, $1  }
0x2b: {  	_ =	sdelay $0x3  }
.LBB2_5:
0x2c: {  	s28 =	sshll.u32 s26, $0x6  }
0x2d: {  	v5 =	vld [tilespmem:s28+$0x0]  }
0x2e: {  	v6 =	vld [tilespmem:s28+$0x10]  }
0x2f: {  	v7 =	vld [tilespmem:s28+$0x20]  }
0x30: {  	v10 =	vld [tilespmem:s28+$0x30];
	_ =	sdelay $0x1  }
0x31: {  	vm0 =	vge.s32 v5, v0;
	vm1 =	vlt.s32 v5, v1  }
0x32: {  	v5 =	vsub.s32 v5, v0;
	vm2 =	vge.s32 v6, v0;
	v8 =	vsub.s32 v6, v0  }
0x33: {  	v9 =	vsub.s32 v7, v0;
	vm0 =	vmand vm0, vm1;
	vm1 =	vgt.s32 v5, $0x0  }
0x34: {  	v12 =	vsub.s32 v10, v0;
	vm3 =	vgt.s32 v8, $0x0;
	v5 =	vnsel vm1, $0x0, v5  }
0x35: {  	vm1 =	vlt.s32 v6, v1;
	v6 =	vnsel vm3, $0x0, v8;
	v5 =	vmin.u32 v5, $0x23FF  }
0x36: {  	vm3 =	vlt.s32 v7, v1;
	v8 =	vld [tilespmem:s28+$0x4010];
	vm1 =	vmand vm2, vm1;
	vm2 =	vge.s32 v7, v0  }
0x37: {  	v6 =	vmin.u32 v6, $0x23FF;
	v7 =	vld [tilespmem:s28+$0x4000];
	vm2 =	vmand vm2, vm3;
	vm3 =	vgt.s32 v9, $0x0  }
0x38: {  	vm4 =	vge.s32 v10, v0;
	vm5 =	vgt.s32 v12, $0x0;
	v11 =	vnsel vm3, $0x0, v9;
	v9 =	vld [tilespmem:s28+$0x4020]  }
0x39: {  	vm3 =	vlt.s32 v10, v1;
	v10 =	vmin.u32 v11, $0x23FF;
	v11 =	vnsel vm5, $0x0, v12;
	v12 =	vld [tilespmem:s28+$0x4030]  }
0x3a: {  	vm3 =	vmand vm4, vm3;
	v14 =	vld.idx.msk [tilespmem:v5+s15+$0x0], vm0  }
0x3b: {  	v11 =	vmin.u32 v11, $0x23FF;
	v15 =	vld.idx.msk [tilespmem:v5+s16+$0x0], vm0  }
0x3c: {  	v17 =	vld.idx.msk [tilespmem:v6+s16+$0x0], vm1  }
0x3d: {  	v16 =	vld.idx.msk [tilespmem:v6+s15+$0x0], vm1  }
0x3e: {  	s28 =	sor.u32 s25, s28;
	v18 =	vld.idx.msk [tilespmem:v10+s15+$0x0], vm2  }
0x3f: {  	v13 =	vor.u32 s28, v4;
	s29 =	sor.u32 $0x10, s28;
	v19 =	vld.idx.msk [tilespmem:v10+s16+$0x0], vm2;
	vm4 =	vlt.s32 v7, v14  }
0x40: {  	v20 =	vld.idx.msk [tilespmem:v11+s15+$0x0], vm3;
	vm5 =	veq.s32 v7, v14;
	v14 =	vor.u32 s29, v4;
	vm6 =	vgt.s32 v13, v15  }
0x41: {  	s30 =	sor.u32 $0x20, s28;
	vm5 =	vmand vm5, vm6;
	vm7 =	vgt.s32 v14, v17;
	v17 =	vld.idx.msk [tilespmem:v11+s16+$0x0], vm3  }
0x42: {  	s28 =	sor.u32 $0x30, s28;
	v15 =	vor.u32 s30, v4;
	vm11 =	veq.s32 v8, v16;
	vm4 =	vmor vm4, vm5  }
0x43: {  	vm5 =	vlt.s32 v8, v16;
	vm6 =	vmand vm11, vm7;
	v16 =	vor.u32 s28, v4  }
0x44: {  	vm0 =	vmand vm0, vm4;
	vm4 =	vmor vm5, vm6;
	vm5 =	vlt.s32 v9, v18  }
0x45: {  	vm12 =	veq.s32 v9, v18;
	vm1 =	vmand vm1, vm4;
	vm4 =	vgt.s32 v15, v19  }
0x46: {  	vm13 =	veq.s32 v12, v20;
	vm4 =	vmand vm12, vm4;
	vm14 =	vgt.s32 v16, v17  }
0x47: {  	vm15 =	vlt.s32 v12, v20;
	vm4 =	vmor vm5, vm4;
	vm5 =	vmand vm13, vm14  }
0x48: {  	vm2 =	vmand vm2, vm4;
	vm4 =	vmor vm15, vm5;
	vm5 =	vmor vm0, vm1  }
0x49: {  	vm3 =	vmand vm3, vm4;
	vm4 =	vmor vm5, vm2  }
0x4a: {  	vm4 =	vmor vm4, vm3  }
0x4b: {  	v17 =	vmpcnt.ones.xlane vm4;
	_ =	sdelay $0x1  }
0x4c: {  	(v2sf) =	vpush v17, $0x0;
	_ =	sdelay $0xe  }
0x4d: {  	s31 =	spop (v2sf)  }
0x4e: {  	p0 =	slt.s32 s31, $0x1  }
.Ltmp5:
0x4f: {  	_ = 	snop;
	(pc) =	sbr.rel @p0 .LBB2_7-.Ltmp5, $1  }
0x50: {  	_ =	sdelay $0x3  }
.LBB2_6:
0x51: {  	[tilespmem:v5+s15+$0x0] =	vst.idx.msk vm0, v7  }
0x52: {  	v17 =	vld.idx.msk [tilespmem:v5+s15+$0x0], vm0;
	_ =	sdelay $0x4  }
0x53: {  	vm4 =	veq.s32 v7, v17  }
0x54: {  	vm5 =	vmand vm0, vm4;
	_ =	sdelay $0x5  }
0x55: {  	[tilespmem:v5+s16+$0x0] =	vst.idx.msk vm5, v13  }
0x56: {  	v18 =	vld.idx.msk [tilespmem:v5+s16+$0x0], vm0;
	[tilespmem:v6+s15+$0x0] =	vst.idx.msk vm1, v8  }
0x57: {  	v19 =	vld.idx.msk [tilespmem:v6+s15+$0x0], vm1;
	_ =	sdelay $0x4  }
0x58: {  	vm5 =	veq.s32 v8, v19  }
0x59: {  	vm6 =	vmand vm1, vm5;
	_ =	sdelay $0x5  }
0x5a: {  	[tilespmem:v6+s16+$0x0] =	vst.idx.msk vm6, v14  }
0x5b: {  	v20 =	vld.idx.msk [tilespmem:v6+s16+$0x0], vm1;
	[tilespmem:v10+s15+$0x0] =	vst.idx.msk vm2, v9  }
0x5c: {  	v21 =	vld.idx.msk [tilespmem:v10+s15+$0x0], vm2;
	_ =	sdelay $0x4  }
0x5d: {  	vm14 =	veq.s32 v9, v21  }
0x5e: {  	vm7 =	vmand vm2, vm14;
	_ =	sdelay $0x5  }
0x5f: {  	[tilespmem:v10+s16+$0x0] =	vst.idx.msk vm7, v15  }
0x60: {  	v22 =	vld.idx.msk [tilespmem:v10+s16+$0x0], vm2;
	[tilespmem:v11+s15+$0x0] =	vst.idx.msk vm3, v12  }
0x61: {  	v23 =	vld.idx.msk [tilespmem:v11+s15+$0x0], vm3;
	_ =	sdelay $0x4  }
0x62: {  	vm7 =	veq.s32 v12, v23  }
0x63: {  	vm8 =	vmand vm3, vm7;
	_ =	sdelay $0x5  }
0x64: {  	[tilespmem:v11+s16+$0x0] =	vst.idx.msk vm8, v16  }
0x65: {  	vm15 =	vgt.s32 v13, v18;
	v18 =	vld.idx.msk [tilespmem:v11+s16+$0x0], vm3  }
0x66: {  	vm12 =	vlt.s32 v7, v17;
	vm9 =	vgt.s32 v14, v20  }
0x67: {  	vm4 =	vmand vm4, vm15;
	vm13 =	vlt.s32 v8, v19;
	vm5 =	vmand vm5, vm9  }
0x68: {  	vm4 =	vmor vm12, vm4;
	vm5 =	vmor vm13, vm5  }
0x69: {  	vm0 =	vmand vm0, vm4;
	vm1 =	vmand vm1, vm5;
	vm4 =	vgt.s32 v15, v22  }
0x6a: {  	vm5 =	vlt.s32 v9, v21;
	vm4 =	vmand vm14, vm4;
	vm14 =	vgt.s32 v16, v18  }
0x6b: {  	vm15 =	vlt.s32 v12, v23;
	vm4 =	vmor vm5, vm4;
	vm5 =	vmand vm7, vm14  }
0x6c: {  	vm2 =	vmand vm2, vm4;
	vm4 =	vmor vm15, vm5;
	vm5 =	vmor vm0, vm1  }
0x6d: {  	vm3 =	vmand vm3, vm4;
	vm4 =	vmor vm5, vm2  }
0x6e: {  	vm4 =	vmor vm4, vm3  }
0x6f: {  	v17 =	vmpcnt.ones.xlane vm4;
	_ =	sdelay $0x1  }
0x70: {  	(v2sf) =	vpush v17, $0x0;
	_ =	sdelay $0xe  }
0x71: {  	s28 =	spop (v2sf)  }
0x72: {  	p0 =	sgt.s32 s28, $0x0  }
.Ltmp6:
0x73: {  	_ = 	snop;
	(pc) =	sbr.rel @p0 .LBB2_6-.Ltmp6, $1  }
0x74: {  	_ =	sdelay $0x3  }
.Ltmp7:
0x75: {  	_ = 	snop;
	(pc) =	sbr.rel .LBB2_7-.Ltmp7, $1  }
0x76: {  	_ =	sdelay $0x3  }
.LBB2_9:
0x77: {  	s23 =	simm.s32 $0x0  }
0x78: {  	v5 =	vld [tilespmem:s23+$0xA400];
	_ =	sdelay $0x3  }
0x79: {  	s24 =	simm.s32 $0x40;
	s25 =	smov.u32 s8  }
.LBB2_10:
0x7a: {  	s26 =	sshra.s32 s24, $0x2;
	p0 =	sne.s32 s24, $0x8FC0;
	s24 =	sadd.s32 $0x40, s24;
	v6 =	vor.u32 s25, v4;
	vm0 =	vlt.s32 v5, $0x0  }
.Ltmp8:
0x7b: {  	v6 =	vsel vm0, v6, v5;
	v5 =	vld [tilespmem:s26+$0xA400];
	(pc) =	sbr.rel @p0 .LBB2_10-.Ltmp8, $2  }
0x7c: {  	[tilespmem:s23+$0xC800] =	vst v6;
	s23 =	smov.u32 s26;
	_ =	sdelay $0x2  }
0x7d: {  	s25 =	sadd.s32 $0x10, s25  }
0x7e: {  	v6 =	vor.u32 s25, v4;
	vm0 =	vlt.s32 v5, $0x0  }
0x7f: {  	v5 =	vsel vm0, v6, v5  }
0x80: {  	s29 =	simm.s32 $0xEC00;
	s24 =	simm.s32 $0xC800;
	[tilespmem:s23+$0xC800] =	vst v5  }
0x81: {  	[tilespmem:s29], [sflag:$0x1] =	stream.indirect.gather [hbm4b:s5+s17], $0x1, s24, s17, $0xb8;
	[tilespmem:$0x15800] =	vst v63  }
0x82: {  	s30 =	simm.s32 $0x11000  }
0x83: {  	[tilespmem:s30], [sflag:$0x1] =	stream.indirect.gather [hbm4b:s6+s17], $0x1, s24, s17, $0xb8;
	[tilespmem:$0x15800] =	vst v63  }
0x84: {  	s31 =	simm.s32 $0x13400  }
0x85: {  	[tilespmem:s31], [sflag:$0x1] =	stream.indirect.gather [hbm4b:s7+s17], $0x1, s24, s17, $0xb8;
	[tilespmem:$0x15800] =	vst v63  }
0x86: {  	_ =	swait.ge [sflag:s18], $0x80  }
0x87: {  	[sflag:s18] =	ssyncset.done $0x0  }
0x88: {  	[sflag:s18] =	ssyncadd.s32 $0xFFFFFF80  }
0x89: {  	_ =	swait.ge [sflag:s18], $0x80  }
0x8a: {  	[sflag:s18] =	ssyncset.done $0x0  }
0x8b: {  	[sflag:s18] =	ssyncadd.s32 $0xFFFFFF80  }
0x8c: {  	_ =	swait.ge [sflag:s18], $0x80  }
0x8d: {  	s23 =	simm.s32 $0x400;
	s24 =	simm.s32 $0x80;
	[sflag:s18] =	ssyncset.done $0x0  }
.LBB2_12:
0x8e: {  	s25 =	sadd.s32 $0xEC00, s24  }
0x8f: {  	s26 =	sadd.s32 $0xC800, s24;
	[sflag:s18] =	ssyncadd.s32 $0xFFFFFF80;
	s28 =	smov.u32 s23  }
0x90: {  	[tilespmem:s25], [sflag:$0x1] =	stream.indirect.gather [hbm4b:s5+s17], $0x1, s26, s17, $0xb8;
	[tilespmem:$0x15800] =	vst v63  }
0x91: {  	p0 =	sne.s32 s23, $0x8E00;
	s23 =	sadd.s32 $0x200, s23;
	s25 =	sadd.s32 $0x11000, s24  }
0x92: {  	[tilespmem:s25], [sflag:$0x1] =	stream.indirect.gather [hbm4b:s6+s17], $0x1, s26, s17, $0xb8;
	[tilespmem:$0x15800] =	vst v63  }
0x93: {  	s24 =	sadd.s32 $0x13400, s24  }
0x94: {  	[tilespmem:s24], [sflag:$0x1] =	stream.indirect.gather [hbm4b:s7+s17], $0x1, s26, s17, $0xb8;
	[tilespmem:$0x15800] =	vst v63  }
0x95: {  	_ =	swait.ge [sflag:s18], $0x80  }
0x96: {  	[sflag:s18] =	ssyncset.done $0x0  }
0x97: {  	[sflag:s18] =	ssyncadd.s32 $0xFFFFFF80  }
.Ltmp9:
0x98: {  	_ =	swait.ge [sflag:s18], $0x80;
	(pc) =	sbr.rel @p0 .LBB2_12-.Ltmp9, $4  }
0x99: {  	[sflag:s18] =	ssyncset.done $0x0  }
0x9a: {  	[sflag:s18] =	ssyncadd.s32 $0xFFFFFF80  }
0x9b: {  	_ =	swait.ge [sflag:s18], $0x80  }
0x9c: {  	s24 =	sshra.s32 s28, $0x2;
	[sflag:s18] =	ssyncset.done $0x0  }
0x9d: {  	s23 =	sadd.s32 $0xEC00, s24;
	s25 =	sadd.s32 $0xC800, s24;
	[sflag:s18] =	ssyncadd.s32 $0xFFFFFF80  }
0x9e: {  	[tilespmem:s23], [sflag:$0x1] =	stream.indirect.gather [hbm4b:s5+s17], $0x1, s25, s17, $0xb8;
	[tilespmem:$0x15800] =	vst v63  }
0x9f: {  	s30 =	sadd.s32 $0x11000, s24  }
0xa0: {  	[tilespmem:s30], [sflag:$0x1] =	stream.indirect.gather [hbm4b:s6+s17], $0x1, s25, s17, $0xb8;
	[tilespmem:$0x15800] =	vst v63  }
0xa1: {  	s31 =	sadd.s32 $0x13400, s24  }
0xa2: {  	[tilespmem:s31], [sflag:$0x1] =	stream.indirect.gather [hbm4b:s7+s17], $0x1, s25, s17, $0xb8;
	[tilespmem:$0x15800] =	vst v63  }
0xa3: {  	_ =	swait.ge [sflag:s18], $0x80  }
0xa4: {  	[sflag:s18] =	ssyncset.done $0x0  }
0xa5: {  	[sflag:s18] =	ssyncadd.s32 $0xFFFFFF80  }
0xa6: {  	_ =	swait.ge [sflag:s18], $0x80  }
0xa7: {  	[sflag:s18] =	ssyncset.done $0x0  }
0xa8: {  	[sflag:s18] =	ssyncadd.s32 $0xFFFFFF80  }
0xa9: {  	_ =	swait.ge [sflag:s18], $0x80  }
0xaa: {  	[sflag:s18] =	ssyncset.done $0x0  }
0xab: {  	s23 =	simm.s32 $0x0;
	[sflag:s18] =	ssyncadd.s32 $0xFFFFFF80  }
0xac: {  	v5 =	vld [tilespmem:s23+$0xA400]  }
0xad: {  	v6 =	vld [tilespmem:s23+$0xEC00]  }
0xae: {  	v7 =	vld [tilespmem:s23+$0x11000]  }
0xaf: {  	v8 =	vld [tilespmem:s23+$0x13400];
	_ =	sdelay $0x1  }
0xb0: {  	vm0 =	vgt.s32 v5, $0xFFFFFFFF  }
0xb1: {  	s24 =	simm.s32 $0x10;
	v6 =	vnsel vm0, $0xBA83126F, v6  }
0xb2: {  	v5 =	vld [tilespmem:s24+$0xA400];
	v7 =	vnsel vm0, $0xBA83126F, v7;
	[tilespmem:s23+$0xEC00] =	vst v6  }
0xb3: {  	s25 =	simm.s32 $0x80;
	v6 =	vld [tilespmem:s24+$0xEC00];
	[tilespmem:s23+$0x11000] =	vst v7;
	v7 =	vnsel vm0, $0xBA83126F, v8  }
.LBB2_14:
0xb4: {  	p0 =	sne.s32 s25, $0x8FC0;
	v8 =	vld [tilespmem:s24+$0x11000];
	[tilespmem:s23+$0x13400] =	vst v7;
	s23 =	smov.u32 s24  }
0xb5: {  	v7 =	vld [tilespmem:s23+$0x13400]  }
.Ltmp10:
0xb6: {  	(pc) =	sbr.rel @p0 .LBB2_14-.Ltmp10, $4  }
0xb7: {  	vm0 =	vgt.s32 v5, $0xFFFFFFFF  }
0xb8: {  	s24 =	sshra.s32 s25, $0x2;
	v6 =	vnsel vm0, $0xBA83126F, v6  }
0xb9: {  	v5 =	vld [tilespmem:s24+$0xA400];
	[tilespmem:s23+$0xEC00] =	vst v6;
	v8 =	vnsel vm0, $0xBA83126F, v8  }
0xba: {  	s25 =	sadd.s32 $0x40, s25;
	v6 =	vld [tilespmem:s24+$0xEC00];
	[tilespmem:s23+$0x11000] =	vst v8;
	v7 =	vnsel vm0, $0xBA83126F, v7  }
0xbb: {  	v8 =	vld [tilespmem:s24+$0x11000];
	[tilespmem:s23+$0x13400] =	vst v7  }
0xbc: {  	v7 =	vld [tilespmem:s24+$0x13400];
	_ =	sdelay $0x1  }
0xbd: {  	vm0 =	vgt.s32 v5, $0xFFFFFFFF  }
0xbe: {  	v5 =	vnsel vm0, $0xBA83126F, v6  }
0xbf: {  	[tilespmem:s24+$0xEC00] =	vst v5;
	v5 =	vnsel vm0, $0xBA83126F, v8  }
0xc0: {  	[tilespmem:s24+$0x11000] =	vst v5;
	v5 =	vnsel vm0, $0xBA83126F, v7  }
0xc1: {  	[tilespmem:s24+$0x13400] =	vst v5  }
0xc2: {  	[hbm4b:s9+s3] =	stream.linear.scatter [tilespmem:s19], [sflag:$0x2], $0x2400, $0x38;
	[tilespmem:$0x15800] =	vst v63  }
0xc3: {  	_ =	swait.ge [sflag:s13], $0x2400  }
0xc4: {  	[sflag:s13] =	ssyncset.done $0x0  }
0xc5: {  	[sflag:s13] =	ssyncadd.s32 $0xFFFFDC00  }
0xc6: {  	[hbm4b:s10+s3] =	stream.linear.scatter [tilespmem:s20], [sflag:$0x2], $0x2400, $0x38;
	[tilespmem:$0x15800] =	vst v63  }
0xc7: {  	s22 =	sadd.s32 $0x1, s22;
	_ =	swait.ge [sflag:s13], $0x2400  }
0xc8: {  	p0 =	sne.s32 s22, s12;
	[sflag:s13] =	ssyncset.done $0x0  }
.Ltmp11:
0xc9: {  	[sflag:s13] =	ssyncadd.s32 $0xFFFFDC00;
	(pc) =	sbr.rel @p0 .LBB2_1-.Ltmp11, $4  }
0xca: {  	[hbm4b:s11+s3] =	stream.linear.scatter [tilespmem:s21], [sflag:$0x2], $0x2400, $0x38;
	[tilespmem:$0x15800] =	vst v63  }
0xcb: {  	_ =	swait.ge [sflag:s13], $0x2400  }
0xcc: {  	[sflag:s13] =	ssyncset.done $0x0  }
0xcd: {  	[sflag:s13] =	ssyncadd.s32 $0xFFFFDC00  }
0xce: {  	_ =	sfence.sel $0x180000  }
0xcf: {  	[bflag:$0x0] =	sbarrier.arrive $0xFFFF  }
0xd0: {  	p0 =	sne.s32 s2, $0x0;
	_ =	strace $0x90000047  }
0xd1: {  	s0 =	sadd.s32 @!p0 $0x100000, s0;
	[bflag:$0x2] =	sbarrier.arrive $0xFFFF  }
0xd2: {  	[sflag:s0] =	ssyncadd.tile.s32 @!p0 $0x1;
	_ =	shalt  }
.Lfunc_end2:
_tile_overlayer_lowered:
.L_overlay_start_2:
0xd3: {  	(tag) =	ssettag $0x2  }
0xd4: {  	s0 =	rddreg [dreg:$0x0];
	s2 =	stileid.u32  }
0xd5: {  	s1 =	rddreg [dreg:$0x1];
	p0 =	sne.s32 s2, $0x0  }
0xd6: {  	s3 =	rddreg [dreg:$0x2];
	[bflag:$0x3] =	sbarrier.arrive $0xFFFF;
	s2 =	simm.s32 @!p0 $0x1C02  }
0xd7: {  	[timem:s3], [sflag:s2] =	dma.local @!p0 [hbm:s0], s1  }
0xd8: {  	s0 =	simm.s32 @!p0 $0x2  }
0xd9: {  	_ =	swait.ge @!p0 [sflag:s0], s1  }
0xda: {  	s1 =	ssub.s32 @!p0 $0x0, s1;
	[sflag:s0] =	ssyncset.done @!p0 $0x0  }
0xdb: {  	[sflag:s0] =	ssyncadd.s32 @!p0 s1  }
0xdc: {  	[bflag:$0x3] =	sbarrier.arrive $0xFFFF  }
0xdd: {  	_ =	shalt  }

</sc_bundles>
